<compile_context>
chip_gen: v7x
topology: tpu7x:2x2x1
jax: 0.10.2.dev20260603
libtpu: 0.0.44.dev20260713+nightly
codegen_flags: <defaults>
</compile_context>

<pallas_src>
import jax
import jax.numpy as jnp
from jax import lax
from jax.experimental import pallas as pl
from jax.experimental.pallas import tpu as pltpu
from jax.experimental.pallas import tpu_sc as plsc

N_NODES = 10000
N_EDGES = 320000
D = 128
HALF = N_NODES // 2

NC = 2
NS = 16

CHUNK = 32
N_ROWS = 10240
E_PAD = N_ROWS * CHUNK
ROWS_PER_TILE = N_ROWS // NS
X_ROWS = 10112
ZERO_SRC = 10104
ACC_ROWS = 5120
DUMMY_DST = N_NODES


def _matmul_body(h_ref, w_ref, norm_ref, o_ref):
    o_ref[...] = (
        jnp.dot(h_ref[...], w_ref[...], preferred_element_type=jnp.float32)
        * norm_ref[...]
    )


def _matmul(h, W, norm):
    blk = 2000
    grid = (N_NODES // blk,)
    return pl.pallas_call(
        _matmul_body,
        grid=grid,
        in_specs=[
            pl.BlockSpec((blk, D), lambda i: (i, 0)),
            pl.BlockSpec((D, D), lambda i: (0, 0)),
            pl.BlockSpec((blk, 1), lambda i: (i, 0)),
        ],
        out_specs=pl.BlockSpec((blk, D), lambda i: (i, 0)),
        out_shape=jax.ShapeDtypeStruct((N_NODES, D), jnp.float32),
    )(h, W, norm)


def _sc_body(x_hbm, src_hbm, dst_hbm, zeros_hbm, out_hbm,
             src_idx, dst_idx, rows_a, rows_b, xsp, acc, *sems):
    cid = lax.axis_index("c")
    sid = lax.axis_index("s")
    bufs = (rows_a, rows_b)
    rsem = sems[0:2]
    ssem = sems[2:6]
    dsem = sems[6:10]
    last = ROWS_PER_TILE - 1

    @pl.when(sid < 15)
    def _():
        pltpu.sync_copy(x_hbm.at[pl.ds(sid * 632, 632)],
                        xsp.at[pl.ds(sid * 632, 632)])

    @pl.when(sid == 15)
    def _():
        pltpu.sync_copy(x_hbm.at[pl.ds(9480, 520)], xsp.at[pl.ds(9480, 520)])
        pltpu.sync_copy(zeros_hbm.at[pl.ds(0, 112)],
                        xsp.at[pl.ds(10000, 112)])

    pltpu.sync_copy(zeros_hbm, acc.at[pl.ds(sid * 320, 128)])
    pltpu.sync_copy(zeros_hbm, acc.at[pl.ds(sid * 320 + 128, 128)])
    pltpu.sync_copy(zeros_hbm.at[pl.ds(0, 64)],
                    acc.at[pl.ds(sid * 320 + 256, 64)])
    plsc.subcore_barrier()

    def idx_start(t, slot):
        base = sid * ROWS_PER_TILE
        pltpu.async_copy(src_hbm.at[base + t], src_idx.at[pl.ds(slot, 1)],
                         ssem[slot])
        pltpu.async_copy(dst_hbm.at[base + t], dst_idx.at[pl.ds(slot, 1)],
                         dsem[slot])

    def idx_wait(t, slot):
        base = sid * ROWS_PER_TILE
        pltpu.make_async_copy(src_hbm.at[base + t],
                              src_idx.at[pl.ds(slot, 1)], ssem[slot]).wait()
        pltpu.make_async_copy(dst_hbm.at[base + t],
                              dst_idx.at[pl.ds(slot, 1)], dsem[slot]).wait()

    def transform(slot):
        lo = cid * HALF
        for v in range(CHUNK // 16):
            sl = src_idx[slot, pl.ds(v * 16, 16)]
            dl = dst_idx[slot, pl.ds(v * 16, 16)]
            local = dl - lo
            invalid = (local < 0) | (local >= HALF)
            dst_idx[slot, pl.ds(v * 16, 16)] = jnp.where(
                invalid, dl & 4095, local)
            src_idx[slot, pl.ds(v * 16, 16)] = jnp.where(
                invalid, ZERO_SRC, sl)

    def gather_start(t, islot, slot):
        pltpu.async_copy(xsp.at[src_idx.at[islot]], bufs[slot], rsem[slot])

    def gather_wait(t, islot, slot):
        pltpu.make_async_copy(xsp.at[src_idx.at[islot]], bufs[slot],
                              rsem[slot]).wait()

    for i in range(4):
        idx_start(i, i)
    for i in range(2):
        idx_wait(i, i)
        transform(i)
        gather_start(i, i, i)

    def body(g, carry):
        for i in range(4):
            t = g * 4 + i
            gather_wait(t, i, i % 2)
            pltpu.sync_copy(bufs[i % 2], acc.at[dst_idx.at[i]], add=True)
            idx_wait(jnp.minimum(t + 2, last), (i + 2) % 4)
            transform((i + 2) % 4)
            gather_start(jnp.minimum(t + 2, last), (i + 2) % 4, i % 2)
            idx_start(jnp.minimum(t + 4, last), i)
        return carry

    lax.fori_loop(0, ROWS_PER_TILE // 4, body, 0, unroll=False)
    for i in range(2):
        gather_wait(last, (i + 2) % 4, i)
    for i in (2, 3):
        idx_wait(last, i)
    plsc.subcore_barrier()

    pltpu.sync_copy(acc.at[pl.ds(sid * 320, 320)],
                    out_hbm.at[cid, pl.ds(sid * 320, 320)])


def _sc_scatter(x, src3d, dst3d, zeros):
    mesh = plsc.VectorSubcoreMesh(core_axis_name="c", subcore_axis_name="s")
    f = pl.kernel(
        _sc_body,
        out_type=jax.ShapeDtypeStruct((NC, ACC_ROWS, D), jnp.float32),
        mesh=mesh,
        scratch_types=[
            pltpu.VMEM((4, CHUNK), jnp.int32),
            pltpu.VMEM((4, CHUNK), jnp.int32),
            pltpu.VMEM((CHUNK, D), jnp.float32),
            pltpu.VMEM((CHUNK, D), jnp.float32),
            pltpu.VMEM_SHARED((X_ROWS, D), jnp.float32),
            pltpu.VMEM_SHARED((ACC_ROWS, D), jnp.float32),
        ] + [pltpu.SemaphoreType.DMA] * 10,
    )
    return f(x, src3d, dst3d, zeros)


def _finish_body(p_ref, norm_ref, b_ref, o_ref):
    o_ref[...] = p_ref[0] * norm_ref[...] + b_ref[...]


def _finish(partials, norm, b):
    blk = 1000
    grid = (N_NODES // blk,)
    return pl.pallas_call(
        _finish_body,
        grid=grid,
        in_specs=[
            pl.BlockSpec((1, blk, D), lambda i: (i // 5, i % 5, 0)),
            pl.BlockSpec((blk, 1), lambda i: (i, 0)),
            pl.BlockSpec((1, D), lambda i: (0, 0)),
        ],
        out_specs=pl.BlockSpec((blk, D), lambda i: (i, 0)),
        out_shape=jax.ShapeDtypeStruct((N_NODES, D), jnp.float32),
    )(partials, norm, b.reshape(1, D))


def kernel(h, edge_index, norm, W, b):
    ei = edge_index.astype(jnp.int32)
    pad = E_PAD - N_EDGES
    src = jnp.concatenate([ei[0], jnp.zeros((pad,), jnp.int32)])
    dst = jnp.concatenate([ei[1], jnp.full((pad,), DUMMY_DST, jnp.int32)])
    src3d = src.reshape(N_ROWS, 1, CHUNK)
    dst3d = dst.reshape(N_ROWS, 1, CHUNK)
    zeros = jnp.zeros((128, D), jnp.float32)

    x = _matmul(h, W, norm)
    partials = _sc_scatter(x, src3d, dst3d, zeros)
    out = _finish(partials, norm, b)
    return out

# --- scband reference (transcript-rebuilt; emitter-appended) ---
"""Pipeline reference for scband-gcnlayer-61589831025106 (READ-ONLY COPY).

The authoritative reference and input builder live on the scoring server;
editing this copy changes nothing except your own understanding.
"""

import jax, jax.numpy as jnp
import numpy as np

N_NODES = 10000
N_EDGES = 320000
D_IN = 128
D_OUT = 128


def setup_inputs(seed: int = 0) -> dict:
    key = jax.random.key(seed)
    k1, k2, k3, k4 = jax.random.split(key, 4)
    h = jax.random.normal(k1, (N_NODES, D_IN), dtype=jnp.float32)
    edge_index = jax.random.randint(k2, (2, N_EDGES), 0, N_NODES, dtype=jnp.int64)
    # per-node symmetric normalization factor (deg^{-1/2}-like), as DGL ndata['norm']
    norm = jax.random.uniform(k3, (N_NODES, 1), dtype=jnp.float32)
    # learned params (xavier-uniform weight, zero bias as in init_params)
    limit = float(np.sqrt(6.0 / (D_IN + D_OUT)))
    W = jax.random.uniform(k4, (D_IN, D_OUT), dtype=jnp.float32, minval=-limit, maxval=limit)
    b = jnp.zeros((D_OUT,), dtype=jnp.float32)
    return {"h": h, "edge_index": edge_index, "norm": norm, "W": W, "b": b}


def reference(h, edge_index, norm, W, b):
    # h = torch.mm(h, self.weight)
    x = jnp.dot(h, W)
    # h = h * adj.ndata['norm']
    x = x * norm
    # update_all(copy_src('h','m'), sum('m','h')): scatter-add messages from src to dst
    src = edge_index[0]
    dst = edge_index[1]
    msg = jnp.take(x, src, axis=0)
    agg = jax.ops.segment_sum(msg, dst, num_segments=N_NODES)
    # h = h * adj.ndata['norm']
    out = agg * norm
    # bias add
    out = out + b
    return out

if __name__ == "__main__":
    import jax
    _d = setup_inputs()
    print(jax.jit(kernel)(*tuple(_d.values())))

</pallas_src>

<mosaic_0001>
#map = affine_map<(d0, d1) -> (0, 0)>
#map1 = affine_map<(d0, d1) -> (0, 0, 0)>
module attributes {stable_mosaic.version = 14 : i64} {
  func.func @_sc_body(%arg0: i32, %arg1: i32, %arg2: memref<10000x128xf32, #tpu.memory_space<hbm>>, %arg3: memref<10240x1x32xi32, #tpu.memory_space<hbm>>, %arg4: memref<10240x1x32xi32, #tpu.memory_space<hbm>>, %arg5: memref<128x128xf32, #tpu.memory_space<hbm>>, %arg6: memref<2x5120x128xf32, #tpu.memory_space<hbm>>, %arg7: memref<4x32xi32, #tpu.memory_space<vmem>>, %arg8: memref<4x32xi32, #tpu.memory_space<vmem>>, %arg9: memref<32x128xf32, #tpu.memory_space<vmem>>, %arg10: memref<32x128xf32, #tpu.memory_space<vmem>>, %arg11: memref<10112x128xf32, #tpu.memory_space<vmem_shared>>, %arg12: memref<5120x128xf32, #tpu.memory_space<vmem_shared>>, %arg13: memref<!tpu.dma_semaphore, #tpu.memory_space<semaphore_mem>>, %arg14: memref<!tpu.dma_semaphore, #tpu.memory_space<semaphore_mem>>, %arg15: memref<!tpu.dma_semaphore, #tpu.memory_space<semaphore_mem>>, %arg16: memref<!tpu.dma_semaphore, #tpu.memory_space<semaphore_mem>>, %arg17: memref<!tpu.dma_semaphore, #tpu.memory_space<semaphore_mem>>, %arg18: memref<!tpu.dma_semaphore, #tpu.memory_space<semaphore_mem>>, %arg19: memref<!tpu.dma_semaphore, #tpu.memory_space<semaphore_mem>>, %arg20: memref<!tpu.dma_semaphore, #tpu.memory_space<semaphore_mem>>, %arg21: memref<!tpu.dma_semaphore, #tpu.memory_space<semaphore_mem>>, %arg22: memref<!tpu.dma_semaphore, #tpu.memory_space<semaphore_mem>>) attributes {dimension_semantics = [#tpu.dimension_semantics<core_parallel>, #tpu.dimension_semantics<subcore_parallel>], iteration_bounds = array<i64: 2, 16>, scalar_prefetch = 0 : i64, scratch_operands = 16 : i64, tpu.core_type = #tpu.core_type<sc_vector_subcore>, window_params = [{transform_indices = #map}, {transform_indices = #map1}, {transform_indices = #map1}, {transform_indices = #map}, {transform_indices = #map1}]} {
    %lt3A = arith.constant 15 : i32
    %lt3A_0 = arith.cmpi slt, %arg1, %lt3A : i32
    %convert_element_type3A = arith.extui %lt3A_0 : i1 to i32
    %cond3A = arith.constant 0 : i32
    %cond3A_1 = arith.cmpi ne, %convert_element_type3A, %cond3A : i32
    scf.if %cond3A_1 {
      %mul3A_469 = arith.constant 632 : i32
      %mul3A_470 = arith.muli %arg1, %mul3A_469 : i32
      %mul3A_471 = arith.constant 632 : i32
      %mul3A_472 = arith.muli %arg1, %mul3A_471 : i32
      "tpu.region"() ({
        %run_scoped3A = tpu.sem_alloc : memref<!tpu.dma_semaphore, #tpu.memory_space<semaphore_mem>>
        %dma_start3A_473 = arith.constant 0 : i32
        %dma_start3A_474 = tpu.memref_slice %arg11[%mul3A_472, %dma_start3A_473] : memref<10112x128xf32, #tpu.memory_space<vmem_shared>> -> memref<632x128xf32, #tpu.memory_space<vmem_shared>>
        %dma_start3A_475 = arith.constant 0 : i32
        %dma_start3A_476 = tpu.memref_slice %arg2[%mul3A_470, %dma_start3A_475] : memref<10000x128xf32, #tpu.memory_space<hbm>> -> memref<632x128xf32, #tpu.memory_space<hbm>>
        tpu.enqueue_dma source(%dma_start3A_476 : memref<632x128xf32, #tpu.memory_space<hbm>>) target(%dma_start3A_474 : memref<632x128xf32, #tpu.memory_space<vmem_shared>>) target_semaphore(%run_scoped3A : memref<!tpu.dma_semaphore, #tpu.memory_space<semaphore_mem>>)
        %dma_wait3A_477 = arith.constant 0 : i32
        %dma_wait3A_478 = tpu.memref_slice %arg11[%mul3A_472, %dma_wait3A_477] : memref<10112x128xf32, #tpu.memory_space<vmem_shared>> -> memref<632x128xf32, #tpu.memory_space<vmem_shared>>
        %dma_wait3A_479 = arith.constant 0 : i32
        %dma_wait3A_480 = tpu.memref_slice %arg2[%mul3A_470, %dma_wait3A_479] : memref<10000x128xf32, #tpu.memory_space<hbm>> -> memref<632x128xf32, #tpu.memory_space<hbm>>
        tpu.wait_dma2 semaphore(%run_scoped3A : memref<!tpu.dma_semaphore, #tpu.memory_space<semaphore_mem>>) src(%dma_wait3A_480 : memref<632x128xf32, #tpu.memory_space<hbm>>) dst(%dma_wait3A_478 : memref<632x128xf32, #tpu.memory_space<vmem_shared>>)
        tpu.yield
      }) : () -> ()
    } else {
    }
    %eq3A = arith.constant 15 : i32
    %eq3A_2 = arith.cmpi eq, %arg1, %eq3A : i32
    %convert_element_type3A_3 = arith.extui %eq3A_2 : i1 to i32
    %cond3A_4 = arith.constant 0 : i32
    %cond3A_5 = arith.cmpi ne, %convert_element_type3A_3, %cond3A_4 : i32
    scf.if %cond3A_5 {
      "tpu.region"() ({
        %run_scoped3A = tpu.sem_alloc : memref<!tpu.dma_semaphore, #tpu.memory_space<semaphore_mem>>
        %dma_start3A_469 = arith.constant 9480 : i32
        %dma_start3A_470 = arith.constant 0 : i32
        %dma_start3A_471 = tpu.memref_slice %arg11[%dma_start3A_469, %dma_start3A_470] : memref<10112x128xf32, #tpu.memory_space<vmem_shared>> -> memref<520x128xf32, #tpu.memory_space<vmem_shared>>
        %dma_start3A_472 = arith.constant 9480 : i32
        %dma_start3A_473 = arith.constant 0 : i32
        %dma_start3A_474 = tpu.memref_slice %arg2[%dma_start3A_472, %dma_start3A_473] : memref<10000x128xf32, #tpu.memory_space<hbm>> -> memref<520x128xf32, #tpu.memory_space<hbm>>
        tpu.enqueue_dma source(%dma_start3A_474 : memref<520x128xf32, #tpu.memory_space<hbm>>) target(%dma_start3A_471 : memref<520x128xf32, #tpu.memory_space<vmem_shared>>) target_semaphore(%run_scoped3A : memref<!tpu.dma_semaphore, #tpu.memory_space<semaphore_mem>>)
        %dma_wait3A_475 = arith.constant 9480 : i32
        %dma_wait3A_476 = arith.constant 0 : i32
        %dma_wait3A_477 = tpu.memref_slice %arg11[%dma_wait3A_475, %dma_wait3A_476] : memref<10112x128xf32, #tpu.memory_space<vmem_shared>> -> memref<520x128xf32, #tpu.memory_space<vmem_shared>>
        %dma_wait3A_478 = arith.constant 9480 : i32
        %dma_wait3A_479 = arith.constant 0 : i32
        %dma_wait3A_480 = tpu.memref_slice %arg2[%dma_wait3A_478, %dma_wait3A_479] : memref<10000x128xf32, #tpu.memory_space<hbm>> -> memref<520x128xf32, #tpu.memory_space<hbm>>
        tpu.wait_dma2 semaphore(%run_scoped3A : memref<!tpu.dma_semaphore, #tpu.memory_space<semaphore_mem>>) src(%dma_wait3A_480 : memref<520x128xf32, #tpu.memory_space<hbm>>) dst(%dma_wait3A_477 : memref<520x128xf32, #tpu.memory_space<vmem_shared>>)
        tpu.yield
      }) : () -> ()
      "tpu.region"() ({
        %run_scoped3A = tpu.sem_alloc : memref<!tpu.dma_semaphore, #tpu.memory_space<semaphore_mem>>
        %dma_start3A_469 = arith.constant 10000 : i32
        %dma_start3A_470 = arith.constant 0 : i32
        %dma_start3A_471 = tpu.memref_slice %arg11[%dma_start3A_469, %dma_start3A_470] : memref<10112x128xf32, #tpu.memory_space<vmem_shared>> -> memref<112x128xf32, #tpu.memory_space<vmem_shared>>
        %dma_start3A_472 = arith.constant 0 : i32
        %dma_start3A_473 = arith.constant 0 : i32
        %dma_start3A_474 = tpu.memref_slice %arg5[%dma_start3A_472, %dma_start3A_473] : memref<128x128xf32, #tpu.memory_space<hbm>> -> memref<112x128xf32, #tpu.memory_space<hbm>>
        tpu.enqueue_dma source(%dma_start3A_474 : memref<112x128xf32, #tpu.memory_space<hbm>>) target(%dma_start3A_471 : memref<112x128xf32, #tpu.memory_space<vmem_shared>>) target_semaphore(%run_scoped3A : memref<!tpu.dma_semaphore, #tpu.memory_space<semaphore_mem>>)
        %dma_wait3A_475 = arith.constant 10000 : i32
        %dma_wait3A_476 = arith.constant 0 : i32
        %dma_wait3A_477 = tpu.memref_slice %arg11[%dma_wait3A_475, %dma_wait3A_476] : memref<10112x128xf32, #tpu.memory_space<vmem_shared>> -> memref<112x128xf32, #tpu.memory_space<vmem_shared>>
        %dma_wait3A_478 = arith.constant 0 : i32
        %dma_wait3A_479 = arith.constant 0 : i32
        %dma_wait3A_480 = tpu.memref_slice %arg5[%dma_wait3A_478, %dma_wait3A_479] : memref<128x128xf32, #tpu.memory_space<hbm>> -> memref<112x128xf32, #tpu.memory_space<hbm>>
        tpu.wait_dma2 semaphore(%run_scoped3A : memref<!tpu.dma_semaphore, #tpu.memory_space<semaphore_mem>>) src(%dma_wait3A_480 : memref<112x128xf32, #tpu.memory_space<hbm>>) dst(%dma_wait3A_477 : memref<112x128xf32, #tpu.memory_space<vmem_shared>>)
        tpu.yield
      }) : () -> ()
    } else {
    }
    %mul3A = arith.constant 320 : i32
    %mul3A_6 = arith.muli %arg1, %mul3A : i32
    "tpu.region"() ({
      %run_scoped3A = tpu.sem_alloc : memref<!tpu.dma_semaphore, #tpu.memory_space<semaphore_mem>>
      %dma_start3A_469 = arith.constant 0 : i32
      %dma_start3A_470 = tpu.memref_slice %arg12[%mul3A_6, %dma_start3A_469] : memref<5120x128xf32, #tpu.memory_space<vmem_shared>> -> memref<128x128xf32, #tpu.memory_space<vmem_shared>>
      tpu.enqueue_dma source(%arg5 : memref<128x128xf32, #tpu.memory_space<hbm>>) target(%dma_start3A_470 : memref<128x128xf32, #tpu.memory_space<vmem_shared>>) target_semaphore(%run_scoped3A : memref<!tpu.dma_semaphore, #tpu.memory_space<semaphore_mem>>)
      %dma_wait3A_471 = arith.constant 0 : i32
      %dma_wait3A_472 = tpu.memref_slice %arg12[%mul3A_6, %dma_wait3A_471] : memref<5120x128xf32, #tpu.memory_space<vmem_shared>> -> memref<128x128xf32, #tpu.memory_space<vmem_shared>>
      tpu.wait_dma2 semaphore(%run_scoped3A : memref<!tpu.dma_semaphore, #tpu.memory_space<semaphore_mem>>) src(%arg5 : memref<128x128xf32, #tpu.memory_space<hbm>>) dst(%dma_wait3A_472 : memref<128x128xf32, #tpu.memory_space<vmem_shared>>)
      tpu.yield
    }) : () -> ()
    %mul3A_7 = arith.constant 320 : i32
    %mul3A_8 = arith.muli %arg1, %mul3A_7 : i32
    %add3A = arith.constant 128 : i32
    %add3A_9 = arith.addi %mul3A_8, %add3A : i32
    "tpu.region"() ({
      %run_scoped3A = tpu.sem_alloc : memref<!tpu.dma_semaphore, #tpu.memory_space<semaphore_mem>>
      %dma_start3A_469 = arith.constant 0 : i32
      %dma_start3A_470 = tpu.memref_slice %arg12[%add3A_9, %dma_start3A_469] : memref<5120x128xf32, #tpu.memory_space<vmem_shared>> -> memref<128x128xf32, #tpu.memory_space<vmem_shared>>
      tpu.enqueue_dma source(%arg5 : memref<128x128xf32, #tpu.memory_space<hbm>>) target(%dma_start3A_470 : memref<128x128xf32, #tpu.memory_space<vmem_shared>>) target_semaphore(%run_scoped3A : memref<!tpu.dma_semaphore, #tpu.memory_space<semaphore_mem>>)
      %dma_wait3A_471 = arith.constant 0 : i32
      %dma_wait3A_472 = tpu.memref_slice %arg12[%add3A_9, %dma_wait3A_471] : memref<5120x128xf32, #tpu.memory_space<vmem_shared>> -> memref<128x128xf32, #tpu.memory_space<vmem_shared>>
      tpu.wait_dma2 semaphore(%run_scoped3A : memref<!tpu.dma_semaphore, #tpu.memory_space<semaphore_mem>>) src(%arg5 : memref<128x128xf32, #tpu.memory_space<hbm>>) dst(%dma_wait3A_472 : memref<128x128xf32, #tpu.memory_space<vmem_shared>>)
      tpu.yield
    }) : () -> ()
    %mul3A_10 = arith.constant 320 : i32
    %mul3A_11 = arith.muli %arg1, %mul3A_10 : i32
    %add3A_12 = arith.constant 256 : i32
    %add3A_13 = arith.addi %mul3A_11, %add3A_12 : i32
    "tpu.region"() ({
      %run_scoped3A = tpu.sem_alloc : memref<!tpu.dma_semaphore, #tpu.memory_space<semaphore_mem>>
      %dma_start3A_469 = arith.constant 0 : i32
      %dma_start3A_470 = tpu.memref_slice %arg12[%add3A_13, %dma_start3A_469] : memref<5120x128xf32, #tpu.memory_space<vmem_shared>> -> memref<64x128xf32, #tpu.memory_space<vmem_shared>>
      %dma_start3A_471 = arith.constant 0 : i32
      %dma_start3A_472 = arith.constant 0 : i32
      %dma_start3A_473 = tpu.memref_slice %arg5[%dma_start3A_471, %dma_start3A_472] : memref<128x128xf32, #tpu.memory_space<hbm>> -> memref<64x128xf32, #tpu.memory_space<hbm>>
      tpu.enqueue_dma source(%dma_start3A_473 : memref<64x128xf32, #tpu.memory_space<hbm>>) target(%dma_start3A_470 : memref<64x128xf32, #tpu.memory_space<vmem_shared>>) target_semaphore(%run_scoped3A : memref<!tpu.dma_semaphore, #tpu.memory_space<semaphore_mem>>)
      %dma_wait3A_474 = arith.constant 0 : i32
      %dma_wait3A_475 = tpu.memref_slice %arg12[%add3A_13, %dma_wait3A_474] : memref<5120x128xf32, #tpu.memory_space<vmem_shared>> -> memref<64x128xf32, #tpu.memory_space<vmem_shared>>
      %dma_wait3A_476 = arith.constant 0 : i32
      %dma_wait3A_477 = arith.constant 0 : i32
      %dma_wait3A_478 = tpu.memref_slice %arg5[%dma_wait3A_476, %dma_wait3A_477] : memref<128x128xf32, #tpu.memory_space<hbm>> -> memref<64x128xf32, #tpu.memory_space<hbm>>
      tpu.wait_dma2 semaphore(%run_scoped3A : memref<!tpu.dma_semaphore, #tpu.memory_space<semaphore_mem>>) src(%dma_wait3A_478 : memref<64x128xf32, #tpu.memory_space<hbm>>) dst(%dma_wait3A_475 : memref<64x128xf32, #tpu.memory_space<vmem_shared>>)
      tpu.yield
    }) : () -> ()
    %barrier3A = arith.constant 0 : index
    tpu.barrier barrier_id(%barrier3A)
    %mul3A_14 = arith.constant 640 : i32
    %mul3A_15 = arith.muli %arg1, %mul3A_14 : i32
    %add3A_16 = arith.constant 0 : i32
    %add3A_17 = arith.addi %mul3A_15, %add3A_16 : i32
    %dma_start3A = arith.constant 0 : i32
    %dma_start3A_18 = arith.constant 0 : i32
    %dma_start3A_19 = tpu.memref_slice %arg7[%dma_start3A, %dma_start3A_18] : memref<4x32xi32, #tpu.memory_space<vmem>> -> memref<1x32xi32, #tpu.memory_space<vmem>>
    %dma_start3A_20 = arith.constant 0 : i32
    %dma_start3A_21 = arith.constant 0 : i32
    %dma_start3A_22 = tpu.memref_slice %arg3[%add3A_17, %dma_start3A_20, %dma_start3A_21] : memref<10240x1x32xi32, #tpu.memory_space<hbm>> -> memref<1x1x32xi32, #tpu.memory_space<hbm>>
    %dma_start3A_23 = tpu.memref_squeeze %dma_start3A_22 : memref<1x1x32xi32, #tpu.memory_space<hbm>> -> memref<1x32xi32, #tpu.memory_space<hbm>>
    %dma_start3A_24 = arith.constant 0 : i32
    %dma_start3A_25 = arith.constant 0 : i32
    %dma_start3A_26 = tpu.memref_slice %arg7[%dma_start3A_24, %dma_start3A_25] : memref<4x32xi32, #tpu.memory_space<vmem>> -> memref<1x32xi32, #tpu.memory_space<vmem>>
    %dma_start3A_27 = arith.constant 0 : i32
    %dma_start3A_28 = arith.constant 0 : i32
    %dma_start3A_29 = tpu.memref_slice %arg3[%add3A_17, %dma_start3A_27, %dma_start3A_28] : memref<10240x1x32xi32, #tpu.memory_space<hbm>> -> memref<1x1x32xi32, #tpu.memory_space<hbm>>
    %dma_start3A_30 = tpu.memref_squeeze %dma_start3A_29 : memref<1x1x32xi32, #tpu.memory_space<hbm>> -> memref<1x32xi32, #tpu.memory_space<hbm>>
    tpu.enqueue_dma source(%dma_start3A_30 : memref<1x32xi32, #tpu.memory_space<hbm>>) target(%dma_start3A_26 : memref<1x32xi32, #tpu.memory_space<vmem>>) target_semaphore(%arg15 : memref<!tpu.dma_semaphore, #tpu.memory_space<semaphore_mem>>)
    %add3A_31 = arith.constant 0 : i32
    %add3A_32 = arith.addi %mul3A_15, %add3A_31 : i32
    %dma_start3A_33 = arith.constant 0 : i32
    %dma_start3A_34 = arith.constant 0 : i32
    %dma_start3A_35 = tpu.memref_slice %arg8[%dma_start3A_33, %dma_start3A_34] : memref<4x32xi32, #tpu.memory_space<vmem>> -> memref<1x32xi32, #tpu.memory_space<vmem>>
    %dma_start3A_36 = arith.constant 0 : i32
    %dma_start3A_37 = arith.constant 0 : i32
    %dma_start3A_38 = tpu.memref_slice %arg4[%add3A_32, %dma_start3A_36, %dma_start3A_37] : memref<10240x1x32xi32, #tpu.memory_space<hbm>> -> memref<1x1x32xi32, #tpu.memory_space<hbm>>
    %dma_start3A_39 = tpu.memref_squeeze %dma_start3A_38 : memref<1x1x32xi32, #tpu.memory_space<hbm>> -> memref<1x32xi32, #tpu.memory_space<hbm>>
    %dma_start3A_40 = arith.constant 0 : i32
    %dma_start3A_41 = arith.constant 0 : i32
    %dma_start3A_42 = tpu.memref_slice %arg8[%dma_start3A_40, %dma_start3A_41] : memref<4x32xi32, #tpu.memory_space<vmem>> -> memref<1x32xi32, #tpu.memory_space<vmem>>
    %dma_start3A_43 = arith.constant 0 : i32
    %dma_start3A_44 = arith.constant 0 : i32
    %dma_start3A_45 = tpu.memref_slice %arg4[%add3A_32, %dma_start3A_43, %dma_start3A_44] : memref<10240x1x32xi32, #tpu.memory_space<hbm>> -> memref<1x1x32xi32, #tpu.memory_space<hbm>>
    %dma_start3A_46 = tpu.memref_squeeze %dma_start3A_45 : memref<1x1x32xi32, #tpu.memory_space<hbm>> -> memref<1x32xi32, #tpu.memory_space<hbm>>
    tpu.enqueue_dma source(%dma_start3A_46 : memref<1x32xi32, #tpu.memory_space<hbm>>) target(%dma_start3A_42 : memref<1x32xi32, #tpu.memory_space<vmem>>) target_semaphore(%arg19 : memref<!tpu.dma_semaphore, #tpu.memory_space<semaphore_mem>>)
    %mul3A_47 = arith.constant 640 : i32
    %mul3A_48 = arith.muli %arg1, %mul3A_47 : i32
    %add3A_49 = arith.constant 1 : i32
    %add3A_50 = arith.addi %mul3A_48, %add3A_49 : i32
    %dma_start3A_51 = arith.constant 1 : i32
    %dma_start3A_52 = arith.constant 0 : i32
    %dma_start3A_53 = tpu.memref_slice %arg7[%dma_start3A_51, %dma_start3A_52] : memref<4x32xi32, #tpu.memory_space<vmem>> -> memref<1x32xi32, #tpu.memory_space<vmem>>
    %dma_start3A_54 = arith.constant 0 : i32
    %dma_start3A_55 = arith.constant 0 : i32
    %dma_start3A_56 = tpu.memref_slice %arg3[%add3A_50, %dma_start3A_54, %dma_start3A_55] : memref<10240x1x32xi32, #tpu.memory_space<hbm>> -> memref<1x1x32xi32, #tpu.memory_space<hbm>>
    %dma_start3A_57 = tpu.memref_squeeze %dma_start3A_56 : memref<1x1x32xi32, #tpu.memory_space<hbm>> -> memref<1x32xi32, #tpu.memory_space<hbm>>
    %dma_start3A_58 = arith.constant 1 : i32
    %dma_start3A_59 = arith.constant 0 : i32
    %dma_start3A_60 = tpu.memref_slice %arg7[%dma_start3A_58, %dma_start3A_59] : memref<4x32xi32, #tpu.memory_space<vmem>> -> memref<1x32xi32, #tpu.memory_space<vmem>>
    %dma_start3A_61 = arith.constant 0 : i32
    %dma_start3A_62 = arith.constant 0 : i32
    %dma_start3A_63 = tpu.memref_slice %arg3[%add3A_50, %dma_start3A_61, %dma_start3A_62] : memref<10240x1x32xi32, #tpu.memory_space<hbm>> -> memref<1x1x32xi32, #tpu.memory_space<hbm>>
    %dma_start3A_64 = tpu.memref_squeeze %dma_start3A_63 : memref<1x1x32xi32, #tpu.memory_space<hbm>> -> memref<1x32xi32, #tpu.memory_space<hbm>>
    tpu.enqueue_dma source(%dma_start3A_64 : memref<1x32xi32, #tpu.memory_space<hbm>>) target(%dma_start3A_60 : memref<1x32xi32, #tpu.memory_space<vmem>>) target_semaphore(%arg16 : memref<!tpu.dma_semaphore, #tpu.memory_space<semaphore_mem>>)
    %add3A_65 = arith.constant 1 : i32
    %add3A_66 = arith.addi %mul3A_48, %add3A_65 : i32
    %dma_start3A_67 = arith.constant 1 : i32
    %dma_start3A_68 = arith.constant 0 : i32
    %dma_start3A_69 = tpu.memref_slice %arg8[%dma_start3A_67, %dma_start3A_68] : memref<4x32xi32, #tpu.memory_space<vmem>> -> memref<1x32xi32, #tpu.memory_space<vmem>>
    %dma_start3A_70 = arith.constant 0 : i32
    %dma_start3A_71 = arith.constant 0 : i32
    %dma_start3A_72 = tpu.memref_slice %arg4[%add3A_66, %dma_start3A_70, %dma_start3A_71] : memref<10240x1x32xi32, #tpu.memory_space<hbm>> -> memref<1x1x32xi32, #tpu.memory_space<hbm>>
    %dma_start3A_73 = tpu.memref_squeeze %dma_start3A_72 : memref<1x1x32xi32, #tpu.memory_space<hbm>> -> memref<1x32xi32, #tpu.memory_space<hbm>>
    %dma_start3A_74 = arith.constant 1 : i32
    %dma_start3A_75 = arith.constant 0 : i32
    %dma_start3A_76 = tpu.memref_slice %arg8[%dma_start3A_74, %dma_start3A_75] : memref<4x32xi32, #tpu.memory_space<vmem>> -> memref<1x32xi32, #tpu.memory_space<vmem>>
    %dma_start3A_77 = arith.constant 0 : i32
    %dma_start3A_78 = arith.constant 0 : i32
    %dma_start3A_79 = tpu.memref_slice %arg4[%add3A_66, %dma_start3A_77, %dma_start3A_78] : memref<10240x1x32xi32, #tpu.memory_space<hbm>> -> memref<1x1x32xi32, #tpu.memory_space<hbm>>
    %dma_start3A_80 = tpu.memref_squeeze %dma_start3A_79 : memref<1x1x32xi32, #tpu.memory_space<hbm>> -> memref<1x32xi32, #tpu.memory_space<hbm>>
    tpu.enqueue_dma source(%dma_start3A_80 : memref<1x32xi32, #tpu.memory_space<hbm>>) target(%dma_start3A_76 : memref<1x32xi32, #tpu.memory_space<vmem>>) target_semaphore(%arg20 : memref<!tpu.dma_semaphore, #tpu.memory_space<semaphore_mem>>)
    %mul3A_81 = arith.constant 640 : i32
    %mul3A_82 = arith.muli %arg1, %mul3A_81 : i32
    %add3A_83 = arith.constant 2 : i32
    %add3A_84 = arith.addi %mul3A_82, %add3A_83 : i32
    %dma_start3A_85 = arith.constant 2 : i32
    %dma_start3A_86 = arith.constant 0 : i32
    %dma_start3A_87 = tpu.memref_slice %arg7[%dma_start3A_85, %dma_start3A_86] : memref<4x32xi32, #tpu.memory_space<vmem>> -> memref<1x32xi32, #tpu.memory_space<vmem>>
    %dma_start3A_88 = arith.constant 0 : i32
    %dma_start3A_89 = arith.constant 0 : i32
    %dma_start3A_90 = tpu.memref_slice %arg3[%add3A_84, %dma_start3A_88, %dma_start3A_89] : memref<10240x1x32xi32, #tpu.memory_space<hbm>> -> memref<1x1x32xi32, #tpu.memory_space<hbm>>
    %dma_start3A_91 = tpu.memref_squeeze %dma_start3A_90 : memref<1x1x32xi32, #tpu.memory_space<hbm>> -> memref<1x32xi32, #tpu.memory_space<hbm>>
    %dma_start3A_92 = arith.constant 2 : i32
    %dma_start3A_93 = arith.constant 0 : i32
    %dma_start3A_94 = tpu.memref_slice %arg7[%dma_start3A_92, %dma_start3A_93] : memref<4x32xi32, #tpu.memory_space<vmem>> -> memref<1x32xi32, #tpu.memory_space<vmem>>
    %dma_start3A_95 = arith.constant 0 : i32
    %dma_start3A_96 = arith.constant 0 : i32
    %dma_start3A_97 = tpu.memref_slice %arg3[%add3A_84, %dma_start3A_95, %dma_start3A_96] : memref<10240x1x32xi32, #tpu.memory_space<hbm>> -> memref<1x1x32xi32, #tpu.memory_space<hbm>>
    %dma_start3A_98 = tpu.memref_squeeze %dma_start3A_97 : memref<1x1x32xi32, #tpu.memory_space<hbm>> -> memref<1x32xi32, #tpu.memory_space<hbm>>
    tpu.enqueue_dma source(%dma_start3A_98 : memref<1x32xi32, #tpu.memory_space<hbm>>) target(%dma_start3A_94 : memref<1x32xi32, #tpu.memory_space<vmem>>) target_semaphore(%arg17 : memref<!tpu.dma_semaphore, #tpu.memory_space<semaphore_mem>>)
    %add3A_99 = arith.constant 2 : i32
    %add3A_100 = arith.addi %mul3A_82, %add3A_99 : i32
    %dma_start3A_101 = arith.constant 2 : i32
    %dma_start3A_102 = arith.constant 0 : i32
    %dma_start3A_103 = tpu.memref_slice %arg8[%dma_start3A_101, %dma_start3A_102] : memref<4x32xi32, #tpu.memory_space<vmem>> -> memref<1x32xi32, #tpu.memory_space<vmem>>
    %dma_start3A_104 = arith.constant 0 : i32
    %dma_start3A_105 = arith.constant 0 : i32
    %dma_start3A_106 = tpu.memref_slice %arg4[%add3A_100, %dma_start3A_104, %dma_start3A_105] : memref<10240x1x32xi32, #tpu.memory_space<hbm>> -> memref<1x1x32xi32, #tpu.memory_space<hbm>>
    %dma_start3A_107 = tpu.memref_squeeze %dma_start3A_106 : memref<1x1x32xi32, #tpu.memory_space<hbm>> -> memref<1x32xi32, #tpu.memory_space<hbm>>
    %dma_start3A_108 = arith.constant 2 : i32
    %dma_start3A_109 = arith.constant 0 : i32
    %dma_start3A_110 = tpu.memref_slice %arg8[%dma_start3A_108, %dma_start3A_109] : memref<4x32xi32, #tpu.memory_space<vmem>> -> memref<1x32xi32, #tpu.memory_space<vmem>>
    %dma_start3A_111 = arith.constant 0 : i32
    %dma_start3A_112 = arith.constant 0 : i32
    %dma_start3A_113 = tpu.memref_slice %arg4[%add3A_100, %dma_start3A_111, %dma_start3A_112] : memref<10240x1x32xi32, #tpu.memory_space<hbm>> -> memref<1x1x32xi32, #tpu.memory_space<hbm>>
    %dma_start3A_114 = tpu.memref_squeeze %dma_start3A_113 : memref<1x1x32xi32, #tpu.memory_space<hbm>> -> memref<1x32xi32, #tpu.memory_space<hbm>>
    tpu.enqueue_dma source(%dma_start3A_114 : memref<1x32xi32, #tpu.memory_space<hbm>>) target(%dma_start3A_110 : memref<1x32xi32, #tpu.memory_space<vmem>>) target_semaphore(%arg21 : memref<!tpu.dma_semaphore, #tpu.memory_space<semaphore_mem>>)
    %mul3A_115 = arith.constant 640 : i32
    %mul3A_116 = arith.muli %arg1, %mul3A_115 : i32
    %add3A_117 = arith.constant 3 : i32
    %add3A_118 = arith.addi %mul3A_116, %add3A_117 : i32
    %dma_start3A_119 = arith.constant 3 : i32
    %dma_start3A_120 = arith.constant 0 : i32
    %dma_start3A_121 = tpu.memref_slice %arg7[%dma_start3A_119, %dma_start3A_120] : memref<4x32xi32, #tpu.memory_space<vmem>> -> memref<1x32xi32, #tpu.memory_space<vmem>>
    %dma_start3A_122 = arith.constant 0 : i32
    %dma_start3A_123 = arith.constant 0 : i32
    %dma_start3A_124 = tpu.memref_slice %arg3[%add3A_118, %dma_start3A_122, %dma_start3A_123] : memref<10240x1x32xi32, #tpu.memory_space<hbm>> -> memref<1x1x32xi32, #tpu.memory_space<hbm>>
    %dma_start3A_125 = tpu.memref_squeeze %dma_start3A_124 : memref<1x1x32xi32, #tpu.memory_space<hbm>> -> memref<1x32xi32, #tpu.memory_space<hbm>>
    %dma_start3A_126 = arith.constant 3 : i32
    %dma_start3A_127 = arith.constant 0 : i32
    %dma_start3A_128 = tpu.memref_slice %arg7[%dma_start3A_126, %dma_start3A_127] : memref<4x32xi32, #tpu.memory_space<vmem>> -> memref<1x32xi32, #tpu.memory_space<vmem>>
    %dma_start3A_129 = arith.constant 0 : i32
    %dma_start3A_130 = arith.constant 0 : i32
    %dma_start3A_131 = tpu.memref_slice %arg3[%add3A_118, %dma_start3A_129, %dma_start3A_130] : memref<10240x1x32xi32, #tpu.memory_space<hbm>> -> memref<1x1x32xi32, #tpu.memory_space<hbm>>
    %dma_start3A_132 = tpu.memref_squeeze %dma_start3A_131 : memref<1x1x32xi32, #tpu.memory_space<hbm>> -> memref<1x32xi32, #tpu.memory_space<hbm>>
    tpu.enqueue_dma source(%dma_start3A_132 : memref<1x32xi32, #tpu.memory_space<hbm>>) target(%dma_start3A_128 : memref<1x32xi32, #tpu.memory_space<vmem>>) target_semaphore(%arg18 : memref<!tpu.dma_semaphore, #tpu.memory_space<semaphore_mem>>)
    %add3A_133 = arith.constant 3 : i32
    %add3A_134 = arith.addi %mul3A_116, %add3A_133 : i32
    %dma_start3A_135 = arith.constant 3 : i32
    %dma_start3A_136 = arith.constant 0 : i32
    %dma_start3A_137 = tpu.memref_slice %arg8[%dma_start3A_135, %dma_start3A_136] : memref<4x32xi32, #tpu.memory_space<vmem>> -> memref<1x32xi32, #tpu.memory_space<vmem>>
    %dma_start3A_138 = arith.constant 0 : i32
    %dma_start3A_139 = arith.constant 0 : i32
    %dma_start3A_140 = tpu.memref_slice %arg4[%add3A_134, %dma_start3A_138, %dma_start3A_139] : memref<10240x1x32xi32, #tpu.memory_space<hbm>> -> memref<1x1x32xi32, #tpu.memory_space<hbm>>
    %dma_start3A_141 = tpu.memref_squeeze %dma_start3A_140 : memref<1x1x32xi32, #tpu.memory_space<hbm>> -> memref<1x32xi32, #tpu.memory_space<hbm>>
    %dma_start3A_142 = arith.constant 3 : i32
    %dma_start3A_143 = arith.constant 0 : i32
    %dma_start3A_144 = tpu.memref_slice %arg8[%dma_start3A_142, %dma_start3A_143] : memref<4x32xi32, #tpu.memory_space<vmem>> -> memref<1x32xi32, #tpu.memory_space<vmem>>
    %dma_start3A_145 = arith.constant 0 : i32
    %dma_start3A_146 = arith.constant 0 : i32
    %dma_start3A_147 = tpu.memref_slice %arg4[%add3A_134, %dma_start3A_145, %dma_start3A_146] : memref<10240x1x32xi32, #tpu.memory_space<hbm>> -> memref<1x1x32xi32, #tpu.memory_space<hbm>>
    %dma_start3A_148 = tpu.memref_squeeze %dma_start3A_147 : memref<1x1x32xi32, #tpu.memory_space<hbm>> -> memref<1x32xi32, #tpu.memory_space<hbm>>
    tpu.enqueue_dma source(%dma_start3A_148 : memref<1x32xi32, #tpu.memory_space<hbm>>) target(%dma_start3A_144 : memref<1x32xi32, #tpu.memory_space<vmem>>) target_semaphore(%arg22 : memref<!tpu.dma_semaphore, #tpu.memory_space<semaphore_mem>>)
    %mul3A_149 = arith.constant 640 : i32
    %mul3A_150 = arith.muli %arg1, %mul3A_149 : i32
    %add3A_151 = arith.constant 0 : i32
    %add3A_152 = arith.addi %mul3A_150, %add3A_151 : i32
    %dma_wait3A = arith.constant 0 : i32
    %dma_wait3A_153 = arith.constant 0 : i32
    %dma_wait3A_154 = tpu.memref_slice %arg7[%dma_wait3A, %dma_wait3A_153] : memref<4x32xi32, #tpu.memory_space<vmem>> -> memref<1x32xi32, #tpu.memory_space<vmem>>
    %dma_wait3A_155 = arith.constant 0 : i32
    %dma_wait3A_156 = arith.constant 0 : i32
    %dma_wait3A_157 = tpu.memref_slice %arg3[%add3A_152, %dma_wait3A_155, %dma_wait3A_156] : memref<10240x1x32xi32, #tpu.memory_space<hbm>> -> memref<1x1x32xi32, #tpu.memory_space<hbm>>
    %dma_wait3A_158 = tpu.memref_squeeze %dma_wait3A_157 : memref<1x1x32xi32, #tpu.memory_space<hbm>> -> memref<1x32xi32, #tpu.memory_space<hbm>>
    %dma_wait3A_159 = arith.constant 0 : i32
    %dma_wait3A_160 = arith.constant 0 : i32
    %dma_wait3A_161 = tpu.memref_slice %arg7[%dma_wait3A_159, %dma_wait3A_160] : memref<4x32xi32, #tpu.memory_space<vmem>> -> memref<1x32xi32, #tpu.memory_space<vmem>>
    %dma_wait3A_162 = arith.constant 0 : i32
    %dma_wait3A_163 = arith.constant 0 : i32
    %dma_wait3A_164 = tpu.memref_slice %arg3[%add3A_152, %dma_wait3A_162, %dma_wait3A_163] : memref<10240x1x32xi32, #tpu.memory_space<hbm>> -> memref<1x1x32xi32, #tpu.memory_space<hbm>>
    %dma_wait3A_165 = tpu.memref_squeeze %dma_wait3A_164 : memref<1x1x32xi32, #tpu.memory_space<hbm>> -> memref<1x32xi32, #tpu.memory_space<hbm>>
    tpu.wait_dma2 semaphore(%arg15 : memref<!tpu.dma_semaphore, #tpu.memory_space<semaphore_mem>>) src(%dma_wait3A_165 : memref<1x32xi32, #tpu.memory_space<hbm>>) dst(%dma_wait3A_161 : memref<1x32xi32, #tpu.memory_space<vmem>>)
    %add3A_166 = arith.constant 0 : i32
    %add3A_167 = arith.addi %mul3A_150, %add3A_166 : i32
    %dma_wait3A_168 = arith.constant 0 : i32
    %dma_wait3A_169 = arith.constant 0 : i32
    %dma_wait3A_170 = tpu.memref_slice %arg8[%dma_wait3A_168, %dma_wait3A_169] : memref<4x32xi32, #tpu.memory_space<vmem>> -> memref<1x32xi32, #tpu.memory_space<vmem>>
    %dma_wait3A_171 = arith.constant 0 : i32
    %dma_wait3A_172 = arith.constant 0 : i32
    %dma_wait3A_173 = tpu.memref_slice %arg4[%add3A_167, %dma_wait3A_171, %dma_wait3A_172] : memref<10240x1x32xi32, #tpu.memory_space<hbm>> -> memref<1x1x32xi32, #tpu.memory_space<hbm>>
    %dma_wait3A_174 = tpu.memref_squeeze %dma_wait3A_173 : memref<1x1x32xi32, #tpu.memory_space<hbm>> -> memref<1x32xi32, #tpu.memory_space<hbm>>
    %dma_wait3A_175 = arith.constant 0 : i32
    %dma_wait3A_176 = arith.constant 0 : i32
    %dma_wait3A_177 = tpu.memref_slice %arg8[%dma_wait3A_175, %dma_wait3A_176] : memref<4x32xi32, #tpu.memory_space<vmem>> -> memref<1x32xi32, #tpu.memory_space<vmem>>
    %dma_wait3A_178 = arith.constant 0 : i32
    %dma_wait3A_179 = arith.constant 0 : i32
    %dma_wait3A_180 = tpu.memref_slice %arg4[%add3A_167, %dma_wait3A_178, %dma_wait3A_179] : memref<10240x1x32xi32, #tpu.memory_space<hbm>> -> memref<1x1x32xi32, #tpu.memory_space<hbm>>
    %dma_wait3A_181 = tpu.memref_squeeze %dma_wait3A_180 : memref<1x1x32xi32, #tpu.memory_space<hbm>> -> memref<1x32xi32, #tpu.memory_space<hbm>>
    tpu.wait_dma2 semaphore(%arg19 : memref<!tpu.dma_semaphore, #tpu.memory_space<semaphore_mem>>) src(%dma_wait3A_181 : memref<1x32xi32, #tpu.memory_space<hbm>>) dst(%dma_wait3A_177 : memref<1x32xi32, #tpu.memory_space<vmem>>)
    %mul3A_182 = arith.constant 5000 : i32
    %mul3A_183 = arith.muli %arg0, %mul3A_182 : i32
    %get3A = arith.constant 0 : i32
    %get3A_184 = arith.index_cast %get3A : i32 to index
    %get3A_185 = arith.constant 0 : index
    %get3A_186 = tpu.vector_load %arg7[%get3A_184, %get3A_185] {strides = array<i32>} : memref<4x32xi32, #tpu.memory_space<vmem>>, vector<1x16xi32>,
    %get3A_187 = vector.shape_cast %get3A_186 : vector<1x16xi32> to vector<16xi32>
    %get3A_188 = arith.constant 0 : i32
    %get3A_189 = arith.index_cast %get3A_188 : i32 to index
    %get3A_190 = arith.constant 0 : index
    %get3A_191 = tpu.vector_load %arg8[%get3A_189, %get3A_190] {strides = array<i32>} : memref<4x32xi32, #tpu.memory_space<vmem>>, vector<1x16xi32>,
    %get3A_192 = vector.shape_cast %get3A_191 : vector<1x16xi32> to vector<16xi32>
    %sub3A = vector.broadcast %mul3A_183 : i32 to vector<16xi32>
    %sub3A_193 = arith.subi %get3A_192, %sub3A : vector<16xi32>
    %lt3A_194 = arith.constant 0 : i32
    %lt3A_195 = vector.broadcast %lt3A_194 : i32 to vector<16xi32>
    %lt3A_196 = arith.cmpi slt, %sub3A_193, %lt3A_195 : vector<16xi32>
    %ge3A = arith.constant 5000 : i32
    %ge3A_197 = vector.broadcast %ge3A : i32 to vector<16xi32>
    %ge3A_198 = arith.cmpi sge, %sub3A_193, %ge3A_197 : vector<16xi32>
    %or3A = arith.ori %lt3A_196, %ge3A_198 : vector<16xi1>
    %and3A = arith.constant 4095 : i32
    %and3A_199 = vector.broadcast %and3A : i32 to vector<16xi32>
    %and3A_200 = arith.andi %get3A_192, %and3A_199 : vector<16xi32>
    %select_n3A = arith.select %or3A, %and3A_200, %sub3A_193 : vector<16xi1>, vector<16xi32>
    %swap3A = arith.constant 0 : i32
    %swap3A_201 = arith.index_cast %swap3A : i32 to index
    %swap3A_202 = arith.constant 0 : index
    %swap3A_203 = tpu.vector_load %arg8[%swap3A_201, %swap3A_202] {strides = array<i32>} : memref<4x32xi32, #tpu.memory_space<vmem>>, vector<1x16xi32>,
    %swap3A_204 = vector.shape_cast %swap3A_203 : vector<1x16xi32> to vector<16xi32>
    %swap3A_205 = vector.shape_cast %select_n3A : vector<16xi32> to vector<1x16xi32>
    tpu.vector_store %arg8[%swap3A_201, %swap3A_202], %swap3A_205 {strides = array<i32>} : memref<4x32xi32, #tpu.memory_space<vmem>>, vector<1x16xi32>,
    %jit3A = arith.constant 10104 : i32
    %broadcast_in_dim3A = vector.broadcast %jit3A : i32 to vector<16xi32>
    %select_n3A_206 = arith.select %or3A, %broadcast_in_dim3A, %get3A_187 : vector<16xi1>, vector<16xi32>
    %swap3A_207 = arith.constant 0 : i32
    %swap3A_208 = arith.index_cast %swap3A_207 : i32 to index
    %swap3A_209 = arith.constant 0 : index
    %swap3A_210 = tpu.vector_load %arg7[%swap3A_208, %swap3A_209] {strides = array<i32>} : memref<4x32xi32, #tpu.memory_space<vmem>>, vector<1x16xi32>,
    %swap3A_211 = vector.shape_cast %swap3A_210 : vector<1x16xi32> to vector<16xi32>
    %swap3A_212 = vector.shape_cast %select_n3A_206 : vector<16xi32> to vector<1x16xi32>
    tpu.vector_store %arg7[%swap3A_208, %swap3A_209], %swap3A_212 {strides = array<i32>} : memref<4x32xi32, #tpu.memory_space<vmem>>, vector<1x16xi32>,
    %get3A_213 = arith.constant 0 : i32
    %get3A_214 = arith.index_cast %get3A_213 : i32 to index
    %get3A_215 = arith.constant 16 : index
    %get3A_216 = tpu.vector_load %arg7[%get3A_214, %get3A_215] {strides = array<i32>} : memref<4x32xi32, #tpu.memory_space<vmem>>, vector<1x16xi32>,
    %get3A_217 = vector.shape_cast %get3A_216 : vector<1x16xi32> to vector<16xi32>
    %get3A_218 = arith.constant 0 : i32
    %get3A_219 = arith.index_cast %get3A_218 : i32 to index
    %get3A_220 = arith.constant 16 : index
    %get3A_221 = tpu.vector_load %arg8[%get3A_219, %get3A_220] {strides = array<i32>} : memref<4x32xi32, #tpu.memory_space<vmem>>, vector<1x16xi32>,
    %get3A_222 = vector.shape_cast %get3A_221 : vector<1x16xi32> to vector<16xi32>
    %sub3A_223 = vector.broadcast %mul3A_183 : i32 to vector<16xi32>
    %sub3A_224 = arith.subi %get3A_222, %sub3A_223 : vector<16xi32>
    %lt3A_225 = arith.constant 0 : i32
    %lt3A_226 = vector.broadcast %lt3A_225 : i32 to vector<16xi32>
    %lt3A_227 = arith.cmpi slt, %sub3A_224, %lt3A_226 : vector<16xi32>
    %ge3A_228 = arith.constant 5000 : i32
    %ge3A_229 = vector.broadcast %ge3A_228 : i32 to vector<16xi32>
    %ge3A_230 = arith.cmpi sge, %sub3A_224, %ge3A_229 : vector<16xi32>
    %or3A_231 = arith.ori %lt3A_227, %ge3A_230 : vector<16xi1>
    %and3A_232 = arith.constant 4095 : i32
    %and3A_233 = vector.broadcast %and3A_232 : i32 to vector<16xi32>
    %and3A_234 = arith.andi %get3A_222, %and3A_233 : vector<16xi32>
    %select_n3A_235 = arith.select %or3A_231, %and3A_234, %sub3A_224 : vector<16xi1>, vector<16xi32>
    %swap3A_236 = arith.constant 0 : i32
    %swap3A_237 = arith.index_cast %swap3A_236 : i32 to index
    %swap3A_238 = arith.constant 16 : index
    %swap3A_239 = tpu.vector_load %arg8[%swap3A_237, %swap3A_238] {strides = array<i32>} : memref<4x32xi32, #tpu.memory_space<vmem>>, vector<1x16xi32>,
    %swap3A_240 = vector.shape_cast %swap3A_239 : vector<1x16xi32> to vector<16xi32>
    %swap3A_241 = vector.shape_cast %select_n3A_235 : vector<16xi32> to vector<1x16xi32>
    tpu.vector_store %arg8[%swap3A_237, %swap3A_238], %swap3A_241 {strides = array<i32>} : memref<4x32xi32, #tpu.memory_space<vmem>>, vector<1x16xi32>,
    %jit3A_242 = arith.constant 10104 : i32
    %broadcast_in_dim3A_243 = vector.broadcast %jit3A_242 : i32 to vector<16xi32>
    %select_n3A_244 = arith.select %or3A_231, %broadcast_in_dim3A_243, %get3A_217 : vector<16xi1>, vector<16xi32>
    %swap3A_245 = arith.constant 0 : i32
    %swap3A_246 = arith.index_cast %swap3A_245 : i32 to index
    %swap3A_247 = arith.constant 16 : index
    %swap3A_248 = tpu.vector_load %arg7[%swap3A_246, %swap3A_247] {strides = array<i32>} : memref<4x32xi32, #tpu.memory_space<vmem>>, vector<1x16xi32>,
    %swap3A_249 = vector.shape_cast %swap3A_248 : vector<1x16xi32> to vector<16xi32>
    %swap3A_250 = vector.shape_cast %select_n3A_244 : vector<16xi32> to vector<1x16xi32>
    tpu.vector_store %arg7[%swap3A_246, %swap3A_247], %swap3A_250 {strides = array<i32>} : memref<4x32xi32, #tpu.memory_space<vmem>>, vector<1x16xi32>,
    %dma_start3A_251 = arith.constant 0 : i32
    %dma_start3A_252 = arith.constant 0 : i32
    %dma_start3A_253 = tpu.memref_slice %arg7[%dma_start3A_251, %dma_start3A_252] : memref<4x32xi32, #tpu.memory_space<vmem>> -> memref<1x32xi32, #tpu.memory_space<vmem>>
    %dma_start3A_254 = tpu.memref_squeeze %dma_start3A_253 : memref<1x32xi32, #tpu.memory_space<vmem>> -> memref<32xi32, #tpu.memory_space<vmem>>
    %dma_start3A_255 = arith.constant 0 : i32
    %dma_start3A_256 = arith.constant 0 : i32
    %dma_start3A_257 = tpu.memref_slice %arg11[%dma_start3A_255, %dma_start3A_256] : memref<10112x128xf32, #tpu.memory_space<vmem_shared>> -> memref<10112x128xf32, #tpu.memory_space<vmem_shared>>
    tpu.enqueue_indirect_dma source(%dma_start3A_257 : memref<10112x128xf32, #tpu.memory_space<vmem_shared>>) target(%arg9 : memref<32x128xf32, #tpu.memory_space<vmem>>) offsets(%dma_start3A_254 : memref<32xi32, #tpu.memory_space<vmem>>) semaphore(%arg13 : memref<!tpu.dma_semaphore, #tpu.memory_space<semaphore_mem>>)
    %mul3A_258 = arith.constant 640 : i32
    %mul3A_259 = arith.muli %arg1, %mul3A_258 : i32
    %add3A_260 = arith.constant 1 : i32
    %add3A_261 = arith.addi %mul3A_259, %add3A_260 : i32
    %dma_wait3A_262 = arith.constant 1 : i32
    %dma_wait3A_263 = arith.constant 0 : i32
    %dma_wait3A_264 = tpu.memref_slice %arg7[%dma_wait3A_262, %dma_wait3A_263] : memref<4x32xi32, #tpu.memory_space<vmem>> -> memref<1x32xi32, #tpu.memory_space<vmem>>
    %dma_wait3A_265 = arith.constant 0 : i32
    %dma_wait3A_266 = arith.constant 0 : i32
    %dma_wait3A_267 = tpu.memref_slice %arg3[%add3A_261, %dma_wait3A_265, %dma_wait3A_266] : memref<10240x1x32xi32, #tpu.memory_space<hbm>> -> memref<1x1x32xi32, #tpu.memory_space<hbm>>
    %dma_wait3A_268 = tpu.memref_squeeze %dma_wait3A_267 : memref<1x1x32xi32, #tpu.memory_space<hbm>> -> memref<1x32xi32, #tpu.memory_space<hbm>>
    %dma_wait3A_269 = arith.constant 1 : i32
    %dma_wait3A_270 = arith.constant 0 : i32
    %dma_wait3A_271 = tpu.memref_slice %arg7[%dma_wait3A_269, %dma_wait3A_270] : memref<4x32xi32, #tpu.memory_space<vmem>> -> memref<1x32xi32, #tpu.memory_space<vmem>>
    %dma_wait3A_272 = arith.constant 0 : i32
    %dma_wait3A_273 = arith.constant 0 : i32
    %dma_wait3A_274 = tpu.memref_slice %arg3[%add3A_261, %dma_wait3A_272, %dma_wait3A_273] : memref<10240x1x32xi32, #tpu.memory_space<hbm>> -> memref<1x1x32xi32, #tpu.memory_space<hbm>>
    %dma_wait3A_275 = tpu.memref_squeeze %dma_wait3A_274 : memref<1x1x32xi32, #tpu.memory_space<hbm>> -> memref<1x32xi32, #tpu.memory_space<hbm>>
    tpu.wait_dma2 semaphore(%arg16 : memref<!tpu.dma_semaphore, #tpu.memory_space<semaphore_mem>>) src(%dma_wait3A_275 : memref<1x32xi32, #tpu.memory_space<hbm>>) dst(%dma_wait3A_271 : memref<1x32xi32, #tpu.memory_space<vmem>>)
    %add3A_276 = arith.constant 1 : i32
    %add3A_277 = arith.addi %mul3A_259, %add3A_276 : i32
    %dma_wait3A_278 = arith.constant 1 : i32
    %dma_wait3A_279 = arith.constant 0 : i32
    %dma_wait3A_280 = tpu.memref_slice %arg8[%dma_wait3A_278, %dma_wait3A_279] : memref<4x32xi32, #tpu.memory_space<vmem>> -> memref<1x32xi32, #tpu.memory_space<vmem>>
    %dma_wait3A_281 = arith.constant 0 : i32
    %dma_wait3A_282 = arith.constant 0 : i32
    %dma_wait3A_283 = tpu.memref_slice %arg4[%add3A_277, %dma_wait3A_281, %dma_wait3A_282] : memref<10240x1x32xi32, #tpu.memory_space<hbm>> -> memref<1x1x32xi32, #tpu.memory_space<hbm>>
    %dma_wait3A_284 = tpu.memref_squeeze %dma_wait3A_283 : memref<1x1x32xi32, #tpu.memory_space<hbm>> -> memref<1x32xi32, #tpu.memory_space<hbm>>
    %dma_wait3A_285 = arith.constant 1 : i32
    %dma_wait3A_286 = arith.constant 0 : i32
    %dma_wait3A_287 = tpu.memref_slice %arg8[%dma_wait3A_285, %dma_wait3A_286] : memref<4x32xi32, #tpu.memory_space<vmem>> -> memref<1x32xi32, #tpu.memory_space<vmem>>
    %dma_wait3A_288 = arith.constant 0 : i32
    %dma_wait3A_289 = arith.constant 0 : i32
    %dma_wait3A_290 = tpu.memref_slice %arg4[%add3A_277, %dma_wait3A_288, %dma_wait3A_289] : memref<10240x1x32xi32, #tpu.memory_space<hbm>> -> memref<1x1x32xi32, #tpu.memory_space<hbm>>
    %dma_wait3A_291 = tpu.memref_squeeze %dma_wait3A_290 : memref<1x1x32xi32, #tpu.memory_space<hbm>> -> memref<1x32xi32, #tpu.memory_space<hbm>>
    tpu.wait_dma2 semaphore(%arg20 : memref<!tpu.dma_semaphore, #tpu.memory_space<semaphore_mem>>) src(%dma_wait3A_291 : memref<1x32xi32, #tpu.memory_space<hbm>>) dst(%dma_wait3A_287 : memref<1x32xi32, #tpu.memory_space<vmem>>)
    %mul3A_292 = arith.constant 5000 : i32
    %mul3A_293 = arith.muli %arg0, %mul3A_292 : i32
    %get3A_294 = arith.constant 1 : i32
    %get3A_295 = arith.index_cast %get3A_294 : i32 to index
    %get3A_296 = arith.constant 0 : index
    %get3A_297 = tpu.vector_load %arg7[%get3A_295, %get3A_296] {strides = array<i32>} : memref<4x32xi32, #tpu.memory_space<vmem>>, vector<1x16xi32>,
    %get3A_298 = vector.shape_cast %get3A_297 : vector<1x16xi32> to vector<16xi32>
    %get3A_299 = arith.constant 1 : i32
    %get3A_300 = arith.index_cast %get3A_299 : i32 to index
    %get3A_301 = arith.constant 0 : index
    %get3A_302 = tpu.vector_load %arg8[%get3A_300, %get3A_301] {strides = array<i32>} : memref<4x32xi32, #tpu.memory_space<vmem>>, vector<1x16xi32>,
    %get3A_303 = vector.shape_cast %get3A_302 : vector<1x16xi32> to vector<16xi32>
    %sub3A_304 = vector.broadcast %mul3A_293 : i32 to vector<16xi32>
    %sub3A_305 = arith.subi %get3A_303, %sub3A_304 : vector<16xi32>
    %lt3A_306 = arith.constant 0 : i32
    %lt3A_307 = vector.broadcast %lt3A_306 : i32 to vector<16xi32>
    %lt3A_308 = arith.cmpi slt, %sub3A_305, %lt3A_307 : vector<16xi32>
    %ge3A_309 = arith.constant 5000 : i32
    %ge3A_310 = vector.broadcast %ge3A_309 : i32 to vector<16xi32>
    %ge3A_311 = arith.cmpi sge, %sub3A_305, %ge3A_310 : vector<16xi32>
    %or3A_312 = arith.ori %lt3A_308, %ge3A_311 : vector<16xi1>
    %and3A_313 = arith.constant 4095 : i32
    %and3A_314 = vector.broadcast %and3A_313 : i32 to vector<16xi32>
    %and3A_315 = arith.andi %get3A_303, %and3A_314 : vector<16xi32>
    %select_n3A_316 = arith.select %or3A_312, %and3A_315, %sub3A_305 : vector<16xi1>, vector<16xi32>
    %swap3A_317 = arith.constant 1 : i32
    %swap3A_318 = arith.index_cast %swap3A_317 : i32 to index
    %swap3A_319 = arith.constant 0 : index
    %swap3A_320 = tpu.vector_load %arg8[%swap3A_318, %swap3A_319] {strides = array<i32>} : memref<4x32xi32, #tpu.memory_space<vmem>>, vector<1x16xi32>,
    %swap3A_321 = vector.shape_cast %swap3A_320 : vector<1x16xi32> to vector<16xi32>
    %swap3A_322 = vector.shape_cast %select_n3A_316 : vector<16xi32> to vector<1x16xi32>
    tpu.vector_store %arg8[%swap3A_318, %swap3A_319], %swap3A_322 {strides = array<i32>} : memref<4x32xi32, #tpu.memory_space<vmem>>, vector<1x16xi32>,
    %jit3A_323 = arith.constant 10104 : i32
    %broadcast_in_dim3A_324 = vector.broadcast %jit3A_323 : i32 to vector<16xi32>
    %select_n3A_325 = arith.select %or3A_312, %broadcast_in_dim3A_324, %get3A_298 : vector<16xi1>, vector<16xi32>
    %swap3A_326 = arith.constant 1 : i32
    %swap3A_327 = arith.index_cast %swap3A_326 : i32 to index
    %swap3A_328 = arith.constant 0 : index
    %swap3A_329 = tpu.vector_load %arg7[%swap3A_327, %swap3A_328] {strides = array<i32>} : memref<4x32xi32, #tpu.memory_space<vmem>>, vector<1x16xi32>,
    %swap3A_330 = vector.shape_cast %swap3A_329 : vector<1x16xi32> to vector<16xi32>
    %swap3A_331 = vector.shape_cast %select_n3A_325 : vector<16xi32> to vector<1x16xi32>
    tpu.vector_store %arg7[%swap3A_327, %swap3A_328], %swap3A_331 {strides = array<i32>} : memref<4x32xi32, #tpu.memory_space<vmem>>, vector<1x16xi32>,
    %get3A_332 = arith.constant 1 : i32
    %get3A_333 = arith.index_cast %get3A_332 : i32 to index
    %get3A_334 = arith.constant 16 : index
    %get3A_335 = tpu.vector_load %arg7[%get3A_333, %get3A_334] {strides = array<i32>} : memref<4x32xi32, #tpu.memory_space<vmem>>, vector<1x16xi32>,
    %get3A_336 = vector.shape_cast %get3A_335 : vector<1x16xi32> to vector<16xi32>
    %get3A_337 = arith.constant 1 : i32
    %get3A_338 = arith.index_cast %get3A_337 : i32 to index
    %get3A_339 = arith.constant 16 : index
    %get3A_340 = tpu.vector_load %arg8[%get3A_338, %get3A_339] {strides = array<i32>} : memref<4x32xi32, #tpu.memory_space<vmem>>, vector<1x16xi32>,
    %get3A_341 = vector.shape_cast %get3A_340 : vector<1x16xi32> to vector<16xi32>
    %sub3A_342 = vector.broadcast %mul3A_293 : i32 to vector<16xi32>
    %sub3A_343 = arith.subi %get3A_341, %sub3A_342 : vector<16xi32>
    %lt3A_344 = arith.constant 0 : i32
    %lt3A_345 = vector.broadcast %lt3A_344 : i32 to vector<16xi32>
    %lt3A_346 = arith.cmpi slt, %sub3A_343, %lt3A_345 : vector<16xi32>
    %ge3A_347 = arith.constant 5000 : i32
    %ge3A_348 = vector.broadcast %ge3A_347 : i32 to vector<16xi32>
    %ge3A_349 = arith.cmpi sge, %sub3A_343, %ge3A_348 : vector<16xi32>
    %or3A_350 = arith.ori %lt3A_346, %ge3A_349 : vector<16xi1>
    %and3A_351 = arith.constant 4095 : i32
    %and3A_352 = vector.broadcast %and3A_351 : i32 to vector<16xi32>
    %and3A_353 = arith.andi %get3A_341, %and3A_352 : vector<16xi32>
    %select_n3A_354 = arith.select %or3A_350, %and3A_353, %sub3A_343 : vector<16xi1>, vector<16xi32>
    %swap3A_355 = arith.constant 1 : i32
    %swap3A_356 = arith.index_cast %swap3A_355 : i32 to index
    %swap3A_357 = arith.constant 16 : index
    %swap3A_358 = tpu.vector_load %arg8[%swap3A_356, %swap3A_357] {strides = array<i32>} : memref<4x32xi32, #tpu.memory_space<vmem>>, vector<1x16xi32>,
    %swap3A_359 = vector.shape_cast %swap3A_358 : vector<1x16xi32> to vector<16xi32>
    %swap3A_360 = vector.shape_cast %select_n3A_354 : vector<16xi32> to vector<1x16xi32>
    tpu.vector_store %arg8[%swap3A_356, %swap3A_357], %swap3A_360 {strides = array<i32>} : memref<4x32xi32, #tpu.memory_space<vmem>>, vector<1x16xi32>,
    %jit3A_361 = arith.constant 10104 : i32
    %broadcast_in_dim3A_362 = vector.broadcast %jit3A_361 : i32 to vector<16xi32>
    %select_n3A_363 = arith.select %or3A_350, %broadcast_in_dim3A_362, %get3A_336 : vector<16xi1>, vector<16xi32>
    %swap3A_364 = arith.constant 1 : i32
    %swap3A_365 = arith.index_cast %swap3A_364 : i32 to index
    %swap3A_366 = arith.constant 16 : index
    %swap3A_367 = tpu.vector_load %arg7[%swap3A_365, %swap3A_366] {strides = array<i32>} : memref<4x32xi32, #tpu.memory_space<vmem>>, vector<1x16xi32>,
    %swap3A_368 = vector.shape_cast %swap3A_367 : vector<1x16xi32> to vector<16xi32>
    %swap3A_369 = vector.shape_cast %select_n3A_363 : vector<16xi32> to vector<1x16xi32>
    tpu.vector_store %arg7[%swap3A_365, %swap3A_366], %swap3A_369 {strides = array<i32>} : memref<4x32xi32, #tpu.memory_space<vmem>>, vector<1x16xi32>,
    %dma_start3A_370 = arith.constant 1 : i32
    %dma_start3A_371 = arith.constant 0 : i32
    %dma_start3A_372 = tpu.memref_slice %arg7[%dma_start3A_370, %dma_start3A_371] : memref<4x32xi32, #tpu.memory_space<vmem>> -> memref<1x32xi32, #tpu.memory_space<vmem>>
    %dma_start3A_373 = tpu.memref_squeeze %dma_start3A_372 : memref<1x32xi32, #tpu.memory_space<vmem>> -> memref<32xi32, #tpu.memory_space<vmem>>
    %dma_start3A_374 = arith.constant 0 : i32
    %dma_start3A_375 = arith.constant 0 : i32
    %dma_start3A_376 = tpu.memref_slice %arg11[%dma_start3A_374, %dma_start3A_375] : memref<10112x128xf32, #tpu.memory_space<vmem_shared>> -> memref<10112x128xf32, #tpu.memory_space<vmem_shared>>
    tpu.enqueue_indirect_dma source(%dma_start3A_376 : memref<10112x128xf32, #tpu.memory_space<vmem_shared>>) target(%arg10 : memref<32x128xf32, #tpu.memory_space<vmem>>) offsets(%dma_start3A_373 : memref<32xi32, #tpu.memory_space<vmem>>) semaphore(%arg14 : memref<!tpu.dma_semaphore, #tpu.memory_space<semaphore_mem>>)
    %scan3A = arith.constant 0 : i32
    %scan3A_377 = arith.constant 0 : i32
    %scan3A_378 = arith.constant 160 : i32
    %scan3A_379 = arith.addi %scan3A_377, %scan3A_378 : i32
    %scan3A_380 = arith.constant 1 : i32
    scf.for %scan3A_469 = %scan3A_377 to %scan3A_379 step %scan3A_380  : i32 {
      %mul3A_470 = arith.constant 4 : i32
      %mul3A_471 = arith.muli %scan3A_469, %mul3A_470 : i32
      %add3A_472 = arith.constant 0 : i32
      %add3A_473 = arith.addi %mul3A_471, %add3A_472 : i32
      %dma_wait3A_474 = arith.constant 0 : i32
      %dma_wait3A_475 = arith.constant 0 : i32
      %dma_wait3A_476 = tpu.memref_slice %arg7[%dma_wait3A_474, %dma_wait3A_475] : memref<4x32xi32, #tpu.memory_space<vmem>> -> memref<1x32xi32, #tpu.memory_space<vmem>>
      %dma_wait3A_477 = tpu.memref_squeeze %dma_wait3A_476 : memref<1x32xi32, #tpu.memory_space<vmem>> -> memref<32xi32, #tpu.memory_space<vmem>>
      %dma_wait3A_478 = arith.constant 0 : i32
      %dma_wait3A_479 = arith.constant 0 : i32
      %dma_wait3A_480 = tpu.memref_slice %arg11[%dma_wait3A_478, %dma_wait3A_479] : memref<10112x128xf32, #tpu.memory_space<vmem_shared>> -> memref<10112x128xf32, #tpu.memory_space<vmem_shared>>
      tpu.wait_indirect_dma semaphore(%arg13 : memref<!tpu.dma_semaphore, #tpu.memory_space<semaphore_mem>>) src(%dma_wait3A_480 : memref<10112x128xf32, #tpu.memory_space<vmem_shared>>) dst(%arg9 : memref<32x128xf32, #tpu.memory_space<vmem>>)
      %run_scoped3A = arith.constant 0 : i32
      "tpu.region"() ({
        %run_scoped3A_1160 = tpu.sem_alloc : memref<!tpu.dma_semaphore, #tpu.memory_space<semaphore_mem>>
        %dma_start3A_1161 = arith.constant 0 : i32
        %dma_start3A_1162 = tpu.memref_slice %arg8[%run_scoped3A, %dma_start3A_1161] : memref<4x32xi32, #tpu.memory_space<vmem>> -> memref<1x32xi32, #tpu.memory_space<vmem>>
        %dma_start3A_1163 = tpu.memref_squeeze %dma_start3A_1162 : memref<1x32xi32, #tpu.memory_space<vmem>> -> memref<32xi32, #tpu.memory_space<vmem>>
        %dma_start3A_1164 = arith.constant 0 : i32
        %dma_start3A_1165 = arith.constant 0 : i32
        %dma_start3A_1166 = tpu.memref_slice %arg12[%dma_start3A_1164, %dma_start3A_1165] : memref<5120x128xf32, #tpu.memory_space<vmem_shared>> -> memref<5120x128xf32, #tpu.memory_space<vmem_shared>>
        tpu.enqueue_indirect_dma source(%arg9 : memref<32x128xf32, #tpu.memory_space<vmem>>) target(%dma_start3A_1166 : memref<5120x128xf32, #tpu.memory_space<vmem_shared>>) offsets(%dma_start3A_1163 : memref<32xi32, #tpu.memory_space<vmem>>) semaphore(%run_scoped3A_1160 : memref<!tpu.dma_semaphore, #tpu.memory_space<semaphore_mem>>) {add = true}
        %dma_wait3A_1167 = arith.constant 0 : i32
        %dma_wait3A_1168 = tpu.memref_slice %arg8[%run_scoped3A, %dma_wait3A_1167] : memref<4x32xi32, #tpu.memory_space<vmem>> -> memref<1x32xi32, #tpu.memory_space<vmem>>
        %dma_wait3A_1169 = tpu.memref_squeeze %dma_wait3A_1168 : memref<1x32xi32, #tpu.memory_space<vmem>> -> memref<32xi32, #tpu.memory_space<vmem>>
        %dma_wait3A_1170 = arith.constant 0 : i32
        %dma_wait3A_1171 = arith.constant 0 : i32
        %dma_wait3A_1172 = tpu.memref_slice %arg12[%dma_wait3A_1170, %dma_wait3A_1171] : memref<5120x128xf32, #tpu.memory_space<vmem_shared>> -> memref<5120x128xf32, #tpu.memory_space<vmem_shared>>
        tpu.wait_indirect_dma semaphore(%run_scoped3A_1160 : memref<!tpu.dma_semaphore, #tpu.memory_space<semaphore_mem>>) src(%arg9 : memref<32x128xf32, #tpu.memory_space<vmem>>) dst(%dma_wait3A_1172 : memref<5120x128xf32, #tpu.memory_space<vmem_shared>>)
        tpu.yield
      }) : () -> ()
      %add3A_481 = arith.constant 2 : i32
      %add3A_482 = arith.addi %add3A_473, %add3A_481 : i32
      %min3A = arith.constant 639 : i32
      %min3A_483 = arith.minsi %add3A_482, %min3A : i32
      %mul3A_484 = arith.constant 640 : i32
      %mul3A_485 = arith.muli %arg1, %mul3A_484 : i32
      %add3A_486 = arith.addi %mul3A_485, %min3A_483 : i32
      %dma_wait3A_487 = arith.constant 2 : i32
      %dma_wait3A_488 = arith.constant 0 : i32
      %dma_wait3A_489 = tpu.memref_slice %arg7[%dma_wait3A_487, %dma_wait3A_488] : memref<4x32xi32, #tpu.memory_space<vmem>> -> memref<1x32xi32, #tpu.memory_space<vmem>>
      %dma_wait3A_490 = arith.constant 0 : i32
      %dma_wait3A_491 = arith.constant 0 : i32
      %dma_wait3A_492 = tpu.memref_slice %arg3[%add3A_486, %dma_wait3A_490, %dma_wait3A_491] : memref<10240x1x32xi32, #tpu.memory_space<hbm>> -> memref<1x1x32xi32, #tpu.memory_space<hbm>>
      %dma_wait3A_493 = tpu.memref_squeeze %dma_wait3A_492 : memref<1x1x32xi32, #tpu.memory_space<hbm>> -> memref<1x32xi32, #tpu.memory_space<hbm>>
      %dma_wait3A_494 = arith.constant 2 : i32
      %dma_wait3A_495 = arith.constant 0 : i32
      %dma_wait3A_496 = tpu.memref_slice %arg7[%dma_wait3A_494, %dma_wait3A_495] : memref<4x32xi32, #tpu.memory_space<vmem>> -> memref<1x32xi32, #tpu.memory_space<vmem>>
      %dma_wait3A_497 = arith.constant 0 : i32
      %dma_wait3A_498 = arith.constant 0 : i32
      %dma_wait3A_499 = tpu.memref_slice %arg3[%add3A_486, %dma_wait3A_497, %dma_wait3A_498] : memref<10240x1x32xi32, #tpu.memory_space<hbm>> -> memref<1x1x32xi32, #tpu.memory_space<hbm>>
      %dma_wait3A_500 = tpu.memref_squeeze %dma_wait3A_499 : memref<1x1x32xi32, #tpu.memory_space<hbm>> -> memref<1x32xi32, #tpu.memory_space<hbm>>
      tpu.wait_dma2 semaphore(%arg17 : memref<!tpu.dma_semaphore, #tpu.memory_space<semaphore_mem>>) src(%dma_wait3A_500 : memref<1x32xi32, #tpu.memory_space<hbm>>) dst(%dma_wait3A_496 : memref<1x32xi32, #tpu.memory_space<vmem>>)
      %add3A_501 = arith.addi %mul3A_485, %min3A_483 : i32
      %dma_wait3A_502 = arith.constant 2 : i32
      %dma_wait3A_503 = arith.constant 0 : i32
      %dma_wait3A_504 = tpu.memref_slice %arg8[%dma_wait3A_502, %dma_wait3A_503] : memref<4x32xi32, #tpu.memory_space<vmem>> -> memref<1x32xi32, #tpu.memory_space<vmem>>
      %dma_wait3A_505 = arith.constant 0 : i32
      %dma_wait3A_506 = arith.constant 0 : i32
      %dma_wait3A_507 = tpu.memref_slice %arg4[%add3A_501, %dma_wait3A_505, %dma_wait3A_506] : memref<10240x1x32xi32, #tpu.memory_space<hbm>> -> memref<1x1x32xi32, #tpu.memory_space<hbm>>
      %dma_wait3A_508 = tpu.memref_squeeze %dma_wait3A_507 : memref<1x1x32xi32, #tpu.memory_space<hbm>> -> memref<1x32xi32, #tpu.memory_space<hbm>>
      %dma_wait3A_509 = arith.constant 2 : i32
      %dma_wait3A_510 = arith.constant 0 : i32
      %dma_wait3A_511 = tpu.memref_slice %arg8[%dma_wait3A_509, %dma_wait3A_510] : memref<4x32xi32, #tpu.memory_space<vmem>> -> memref<1x32xi32, #tpu.memory_space<vmem>>
      %dma_wait3A_512 = arith.constant 0 : i32
      %dma_wait3A_513 = arith.constant 0 : i32
      %dma_wait3A_514 = tpu.memref_slice %arg4[%add3A_501, %dma_wait3A_512, %dma_wait3A_513] : memref<10240x1x32xi32, #tpu.memory_space<hbm>> -> memref<1x1x32xi32, #tpu.memory_space<hbm>>
      %dma_wait3A_515 = tpu.memref_squeeze %dma_wait3A_514 : memref<1x1x32xi32, #tpu.memory_space<hbm>> -> memref<1x32xi32, #tpu.memory_space<hbm>>
      tpu.wait_dma2 semaphore(%arg21 : memref<!tpu.dma_semaphore, #tpu.memory_space<semaphore_mem>>) src(%dma_wait3A_515 : memref<1x32xi32, #tpu.memory_space<hbm>>) dst(%dma_wait3A_511 : memref<1x32xi32, #tpu.memory_space<vmem>>)
      %mul3A_516 = arith.constant 5000 : i32
      %mul3A_517 = arith.muli %arg0, %mul3A_516 : i32
      %get3A_518 = arith.constant 2 : i32
      %get3A_519 = arith.index_cast %get3A_518 : i32 to index
      %get3A_520 = arith.constant 0 : index
      %get3A_521 = tpu.vector_load %arg7[%get3A_519, %get3A_520] {strides = array<i32>} : memref<4x32xi32, #tpu.memory_space<vmem>>, vector<1x16xi32>,
      %get3A_522 = vector.shape_cast %get3A_521 : vector<1x16xi32> to vector<16xi32>
      %get3A_523 = arith.constant 2 : i32
      %get3A_524 = arith.index_cast %get3A_523 : i32 to index
      %get3A_525 = arith.constant 0 : index
      %get3A_526 = tpu.vector_load %arg8[%get3A_524, %get3A_525] {strides = array<i32>} : memref<4x32xi32, #tpu.memory_space<vmem>>, vector<1x16xi32>,
      %get3A_527 = vector.shape_cast %get3A_526 : vector<1x16xi32> to vector<16xi32>
      %sub3A_528 = vector.broadcast %mul3A_517 : i32 to vector<16xi32>
      %sub3A_529 = arith.subi %get3A_527, %sub3A_528 : vector<16xi32>
      %lt3A_530 = arith.constant 0 : i32
      %lt3A_531 = vector.broadcast %lt3A_530 : i32 to vector<16xi32>
      %lt3A_532 = arith.cmpi slt, %sub3A_529, %lt3A_531 : vector<16xi32>
      %ge3A_533 = arith.constant 5000 : i32
      %ge3A_534 = vector.broadcast %ge3A_533 : i32 to vector<16xi32>
      %ge3A_535 = arith.cmpi sge, %sub3A_529, %ge3A_534 : vector<16xi32>
      %or3A_536 = arith.ori %lt3A_532, %ge3A_535 : vector<16xi1>
      %and3A_537 = arith.constant 4095 : i32
      %and3A_538 = vector.broadcast %and3A_537 : i32 to vector<16xi32>
      %and3A_539 = arith.andi %get3A_527, %and3A_538 : vector<16xi32>
      %select_n3A_540 = arith.select %or3A_536, %and3A_539, %sub3A_529 : vector<16xi1>, vector<16xi32>
      %swap3A_541 = arith.constant 2 : i32
      %swap3A_542 = arith.index_cast %swap3A_541 : i32 to index
      %swap3A_543 = arith.constant 0 : index
      %swap3A_544 = tpu.vector_load %arg8[%swap3A_542, %swap3A_543] {strides = array<i32>} : memref<4x32xi32, #tpu.memory_space<vmem>>, vector<1x16xi32>,
      %swap3A_545 = vector.shape_cast %swap3A_544 : vector<1x16xi32> to vector<16xi32>
      %swap3A_546 = vector.shape_cast %select_n3A_540 : vector<16xi32> to vector<1x16xi32>
      tpu.vector_store %arg8[%swap3A_542, %swap3A_543], %swap3A_546 {strides = array<i32>} : memref<4x32xi32, #tpu.memory_space<vmem>>, vector<1x16xi32>,
      %jit3A_547 = arith.constant 10104 : i32
      %broadcast_in_dim3A_548 = vector.broadcast %jit3A_547 : i32 to vector<16xi32>
      %select_n3A_549 = arith.select %or3A_536, %broadcast_in_dim3A_548, %get3A_522 : vector<16xi1>, vector<16xi32>
      %swap3A_550 = arith.constant 2 : i32
      %swap3A_551 = arith.index_cast %swap3A_550 : i32 to index
      %swap3A_552 = arith.constant 0 : index
      %swap3A_553 = tpu.vector_load %arg7[%swap3A_551, %swap3A_552] {strides = array<i32>} : memref<4x32xi32, #tpu.memory_space<vmem>>, vector<1x16xi32>,
      %swap3A_554 = vector.shape_cast %swap3A_553 : vector<1x16xi32> to vector<16xi32>
      %swap3A_555 = vector.shape_cast %select_n3A_549 : vector<16xi32> to vector<1x16xi32>
      tpu.vector_store %arg7[%swap3A_551, %swap3A_552], %swap3A_555 {strides = array<i32>} : memref<4x32xi32, #tpu.memory_space<vmem>>, vector<1x16xi32>,
      %get3A_556 = arith.constant 2 : i32
      %get3A_557 = arith.index_cast %get3A_556 : i32 to index
      %get3A_558 = arith.constant 16 : index
      %get3A_559 = tpu.vector_load %arg7[%get3A_557, %get3A_558] {strides = array<i32>} : memref<4x32xi32, #tpu.memory_space<vmem>>, vector<1x16xi32>,
      %get3A_560 = vector.shape_cast %get3A_559 : vector<1x16xi32> to vector<16xi32>
      %get3A_561 = arith.constant 2 : i32
      %get3A_562 = arith.index_cast %get3A_561 : i32 to index
      %get3A_563 = arith.constant 16 : index
      %get3A_564 = tpu.vector_load %arg8[%get3A_562, %get3A_563] {strides = array<i32>} : memref<4x32xi32, #tpu.memory_space<vmem>>, vector<1x16xi32>,
      %get3A_565 = vector.shape_cast %get3A_564 : vector<1x16xi32> to vector<16xi32>
      %sub3A_566 = vector.broadcast %mul3A_517 : i32 to vector<16xi32>
      %sub3A_567 = arith.subi %get3A_565, %sub3A_566 : vector<16xi32>
      %lt3A_568 = arith.constant 0 : i32
      %lt3A_569 = vector.broadcast %lt3A_568 : i32 to vector<16xi32>
      %lt3A_570 = arith.cmpi slt, %sub3A_567, %lt3A_569 : vector<16xi32>
      %ge3A_571 = arith.constant 5000 : i32
      %ge3A_572 = vector.broadcast %ge3A_571 : i32 to vector<16xi32>
      %ge3A_573 = arith.cmpi sge, %sub3A_567, %ge3A_572 : vector<16xi32>
      %or3A_574 = arith.ori %lt3A_570, %ge3A_573 : vector<16xi1>
      %and3A_575 = arith.constant 4095 : i32
      %and3A_576 = vector.broadcast %and3A_575 : i32 to vector<16xi32>
      %and3A_577 = arith.andi %get3A_565, %and3A_576 : vector<16xi32>
      %select_n3A_578 = arith.select %or3A_574, %and3A_577, %sub3A_567 : vector<16xi1>, vector<16xi32>
      %swap3A_579 = arith.constant 2 : i32
      %swap3A_580 = arith.index_cast %swap3A_579 : i32 to index
      %swap3A_581 = arith.constant 16 : index
      %swap3A_582 = tpu.vector_load %arg8[%swap3A_580, %swap3A_581] {strides = array<i32>} : memref<4x32xi32, #tpu.memory_space<vmem>>, vector<1x16xi32>,
      %swap3A_583 = vector.shape_cast %swap3A_582 : vector<1x16xi32> to vector<16xi32>
      %swap3A_584 = vector.shape_cast %select_n3A_578 : vector<16xi32> to vector<1x16xi32>
      tpu.vector_store %arg8[%swap3A_580, %swap3A_581], %swap3A_584 {strides = array<i32>} : memref<4x32xi32, #tpu.memory_space<vmem>>, vector<1x16xi32>,
      %jit3A_585 = arith.constant 10104 : i32
      %broadcast_in_dim3A_586 = vector.broadcast %jit3A_585 : i32 to vector<16xi32>
      %select_n3A_587 = arith.select %or3A_574, %broadcast_in_dim3A_586, %get3A_560 : vector<16xi1>, vector<16xi32>
      %swap3A_588 = arith.constant 2 : i32
      %swap3A_589 = arith.index_cast %swap3A_588 : i32 to index
      %swap3A_590 = arith.constant 16 : index
      %swap3A_591 = tpu.vector_load %arg7[%swap3A_589, %swap3A_590] {strides = array<i32>} : memref<4x32xi32, #tpu.memory_space<vmem>>, vector<1x16xi32>,
      %swap3A_592 = vector.shape_cast %swap3A_591 : vector<1x16xi32> to vector<16xi32>
      %swap3A_593 = vector.shape_cast %select_n3A_587 : vector<16xi32> to vector<1x16xi32>
      tpu.vector_store %arg7[%swap3A_589, %swap3A_590], %swap3A_593 {strides = array<i32>} : memref<4x32xi32, #tpu.memory_space<vmem>>, vector<1x16xi32>,
      %add3A_594 = arith.constant 2 : i32
      %add3A_595 = arith.addi %add3A_473, %add3A_594 : i32
      %min3A_596 = arith.constant 639 : i32
      %min3A_597 = arith.minsi %add3A_595, %min3A_596 : i32
      %dma_start3A_598 = arith.constant 2 : i32
      %dma_start3A_599 = arith.constant 0 : i32
      %dma_start3A_600 = tpu.memref_slice %arg7[%dma_start3A_598, %dma_start3A_599] : memref<4x32xi32, #tpu.memory_space<vmem>> -> memref<1x32xi32, #tpu.memory_space<vmem>>
      %dma_start3A_601 = tpu.memref_squeeze %dma_start3A_600 : memref<1x32xi32, #tpu.memory_space<vmem>> -> memref<32xi32, #tpu.memory_space<vmem>>
      %dma_start3A_602 = arith.constant 0 : i32
      %dma_start3A_603 = arith.constant 0 : i32
      %dma_start3A_604 = tpu.memref_slice %arg11[%dma_start3A_602, %dma_start3A_603] : memref<10112x128xf32, #tpu.memory_space<vmem_shared>> -> memref<10112x128xf32, #tpu.memory_space<vmem_shared>>
      tpu.enqueue_indirect_dma source(%dma_start3A_604 : memref<10112x128xf32, #tpu.memory_space<vmem_shared>>) target(%arg9 : memref<32x128xf32, #tpu.memory_space<vmem>>) offsets(%dma_start3A_601 : memref<32xi32, #tpu.memory_space<vmem>>) semaphore(%arg13 : memref<!tpu.dma_semaphore, #tpu.memory_space<semaphore_mem>>)
      %add3A_605 = arith.constant 4 : i32
      %add3A_606 = arith.addi %add3A_473, %add3A_605 : i32
      %min3A_607 = arith.constant 639 : i32
      %min3A_608 = arith.minsi %add3A_606, %min3A_607 : i32
      %mul3A_609 = arith.constant 640 : i32
      %mul3A_610 = arith.muli %arg1, %mul3A_609 : i32
      %add3A_611 = arith.addi %mul3A_610, %min3A_608 : i32
      %dma_start3A_612 = arith.constant 0 : i32
      %dma_start3A_613 = arith.constant 0 : i32
      %dma_start3A_614 = tpu.memref_slice %arg7[%dma_start3A_612, %dma_start3A_613] : memref<4x32xi32, #tpu.memory_space<vmem>> -> memref<1x32xi32, #tpu.memory_space<vmem>>
      %dma_start3A_615 = arith.constant 0 : i32
      %dma_start3A_616 = arith.constant 0 : i32
      %dma_start3A_617 = tpu.memref_slice %arg3[%add3A_611, %dma_start3A_615, %dma_start3A_616] : memref<10240x1x32xi32, #tpu.memory_space<hbm>> -> memref<1x1x32xi32, #tpu.memory_space<hbm>>
      %dma_start3A_618 = tpu.memref_squeeze %dma_start3A_617 : memref<1x1x32xi32, #tpu.memory_space<hbm>> -> memref<1x32xi32, #tpu.memory_space<hbm>>
      %dma_start3A_619 = arith.constant 0 : i32
      %dma_start3A_620 = arith.constant 0 : i32
      %dma_start3A_621 = tpu.memref_slice %arg7[%dma_start3A_619, %dma_start3A_620] : memref<4x32xi32, #tpu.memory_space<vmem>> -> memref<1x32xi32, #tpu.memory_space<vmem>>
      %dma_start3A_622 = arith.constant 0 : i32
      %dma_start3A_623 = arith.constant 0 : i32
      %dma_start3A_624 = tpu.memref_slice %arg3[%add3A_611, %dma_start3A_622, %dma_start3A_623] : memref<10240x1x32xi32, #tpu.memory_space<hbm>> -> memref<1x1x32xi32, #tpu.memory_space<hbm>>
      %dma_start3A_625 = tpu.memref_squeeze %dma_start3A_624 : memref<1x1x32xi32, #tpu.memory_space<hbm>> -> memref<1x32xi32, #tpu.memory_space<hbm>>
      tpu.enqueue_dma source(%dma_start3A_625 : memref<1x32xi32, #tpu.memory_space<hbm>>) target(%dma_start3A_621 : memref<1x32xi32, #tpu.memory_space<vmem>>) target_semaphore(%arg15 : memref<!tpu.dma_semaphore, #tpu.memory_space<semaphore_mem>>)
      %add3A_626 = arith.addi %mul3A_610, %min3A_608 : i32
      %dma_start3A_627 = arith.constant 0 : i32
      %dma_start3A_628 = arith.constant 0 : i32
      %dma_start3A_629 = tpu.memref_slice %arg8[%dma_start3A_627, %dma_start3A_628] : memref<4x32xi32, #tpu.memory_space<vmem>> -> memref<1x32xi32, #tpu.memory_space<vmem>>
      %dma_start3A_630 = arith.constant 0 : i32
      %dma_start3A_631 = arith.constant 0 : i32
      %dma_start3A_632 = tpu.memref_slice %arg4[%add3A_626, %dma_start3A_630, %dma_start3A_631] : memref<10240x1x32xi32, #tpu.memory_space<hbm>> -> memref<1x1x32xi32, #tpu.memory_space<hbm>>
      %dma_start3A_633 = tpu.memref_squeeze %dma_start3A_632 : memref<1x1x32xi32, #tpu.memory_space<hbm>> -> memref<1x32xi32, #tpu.memory_space<hbm>>
      %dma_start3A_634 = arith.constant 0 : i32
      %dma_start3A_635 = arith.constant 0 : i32
      %dma_start3A_636 = tpu.memref_slice %arg8[%dma_start3A_634, %dma_start3A_635] : memref<4x32xi32, #tpu.memory_space<vmem>> -> memref<1x32xi32, #tpu.memory_space<vmem>>
      %dma_start3A_637 = arith.constant 0 : i32
      %dma_start3A_638 = arith.constant 0 : i32
      %dma_start3A_639 = tpu.memref_slice %arg4[%add3A_626, %dma_start3A_637, %dma_start3A_638] : memref<10240x1x32xi32, #tpu.memory_space<hbm>> -> memref<1x1x32xi32, #tpu.memory_space<hbm>>
      %dma_start3A_640 = tpu.memref_squeeze %dma_start3A_639 : memref<1x1x32xi32, #tpu.memory_space<hbm>> -> memref<1x32xi32, #tpu.memory_space<hbm>>
      tpu.enqueue_dma source(%dma_start3A_640 : memref<1x32xi32, #tpu.memory_space<hbm>>) target(%dma_start3A_636 : memref<1x32xi32, #tpu.memory_space<vmem>>) target_semaphore(%arg19 : memref<!tpu.dma_semaphore, #tpu.memory_space<semaphore_mem>>)
      %mul3A_641 = arith.constant 4 : i32
      %mul3A_642 = arith.muli %scan3A_469, %mul3A_641 : i32
      %add3A_643 = arith.constant 1 : i32
      %add3A_644 = arith.addi %mul3A_642, %add3A_643 : i32
      %dma_wait3A_645 = arith.constant 1 : i32
      %dma_wait3A_646 = arith.constant 0 : i32
      %dma_wait3A_647 = tpu.memref_slice %arg7[%dma_wait3A_645, %dma_wait3A_646] : memref<4x32xi32, #tpu.memory_space<vmem>> -> memref<1x32xi32, #tpu.memory_space<vmem>>
      %dma_wait3A_648 = tpu.memref_squeeze %dma_wait3A_647 : memref<1x32xi32, #tpu.memory_space<vmem>> -> memref<32xi32, #tpu.memory_space<vmem>>
      %dma_wait3A_649 = arith.constant 0 : i32
      %dma_wait3A_650 = arith.constant 0 : i32
      %dma_wait3A_651 = tpu.memref_slice %arg11[%dma_wait3A_649, %dma_wait3A_650] : memref<10112x128xf32, #tpu.memory_space<vmem_shared>> -> memref<10112x128xf32, #tpu.memory_space<vmem_shared>>
      tpu.wait_indirect_dma semaphore(%arg14 : memref<!tpu.dma_semaphore, #tpu.memory_space<semaphore_mem>>) src(%dma_wait3A_651 : memref<10112x128xf32, #tpu.memory_space<vmem_shared>>) dst(%arg10 : memref<32x128xf32, #tpu.memory_space<vmem>>)
      %run_scoped3A_652 = arith.constant 1 : i32
      "tpu.region"() ({
        %run_scoped3A_1160 = tpu.sem_alloc : memref<!tpu.dma_semaphore, #tpu.memory_space<semaphore_mem>>
        %dma_start3A_1161 = arith.constant 0 : i32
        %dma_start3A_1162 = tpu.memref_slice %arg8[%run_scoped3A_652, %dma_start3A_1161] : memref<4x32xi32, #tpu.memory_space<vmem>> -> memref<1x32xi32, #tpu.memory_space<vmem>>
        %dma_start3A_1163 = tpu.memref_squeeze %dma_start3A_1162 : memref<1x32xi32, #tpu.memory_space<vmem>> -> memref<32xi32, #tpu.memory_space<vmem>>
        %dma_start3A_1164 = arith.constant 0 : i32
        %dma_start3A_1165 = arith.constant 0 : i32
        %dma_start3A_1166 = tpu.memref_slice %arg12[%dma_start3A_1164, %dma_start3A_1165] : memref<5120x128xf32, #tpu.memory_space<vmem_shared>> -> memref<5120x128xf32, #tpu.memory_space<vmem_shared>>
        tpu.enqueue_indirect_dma source(%arg10 : memref<32x128xf32, #tpu.memory_space<vmem>>) target(%dma_start3A_1166 : memref<5120x128xf32, #tpu.memory_space<vmem_shared>>) offsets(%dma_start3A_1163 : memref<32xi32, #tpu.memory_space<vmem>>) semaphore(%run_scoped3A_1160 : memref<!tpu.dma_semaphore, #tpu.memory_space<semaphore_mem>>) {add = true}
        %dma_wait3A_1167 = arith.constant 0 : i32
        %dma_wait3A_1168 = tpu.memref_slice %arg8[%run_scoped3A_652, %dma_wait3A_1167] : memref<4x32xi32, #tpu.memory_space<vmem>> -> memref<1x32xi32, #tpu.memory_space<vmem>>
        %dma_wait3A_1169 = tpu.memref_squeeze %dma_wait3A_1168 : memref<1x32xi32, #tpu.memory_space<vmem>> -> memref<32xi32, #tpu.memory_space<vmem>>
        %dma_wait3A_1170 = arith.constant 0 : i32
        %dma_wait3A_1171 = arith.constant 0 : i32
        %dma_wait3A_1172 = tpu.memref_slice %arg12[%dma_wait3A_1170, %dma_wait3A_1171] : memref<5120x128xf32, #tpu.memory_space<vmem_shared>> -> memref<5120x128xf32, #tpu.memory_space<vmem_shared>>
        tpu.wait_indirect_dma semaphore(%run_scoped3A_1160 : memref<!tpu.dma_semaphore, #tpu.memory_space<semaphore_mem>>) src(%arg10 : memref<32x128xf32, #tpu.memory_space<vmem>>) dst(%dma_wait3A_1172 : memref<5120x128xf32, #tpu.memory_space<vmem_shared>>)
        tpu.yield
      }) : () -> ()
      %add3A_653 = arith.constant 2 : i32
      %add3A_654 = arith.addi %add3A_644, %add3A_653 : i32
      %min3A_655 = arith.constant 639 : i32
      %min3A_656 = arith.minsi %add3A_654, %min3A_655 : i32
      %mul3A_657 = arith.constant 640 : i32
      %mul3A_658 = arith.muli %arg1, %mul3A_657 : i32
      %add3A_659 = arith.addi %mul3A_658, %min3A_656 : i32
      %dma_wait3A_660 = arith.constant 3 : i32
      %dma_wait3A_661 = arith.constant 0 : i32
      %dma_wait3A_662 = tpu.memref_slice %arg7[%dma_wait3A_660, %dma_wait3A_661] : memref<4x32xi32, #tpu.memory_space<vmem>> -> memref<1x32xi32, #tpu.memory_space<vmem>>
      %dma_wait3A_663 = arith.constant 0 : i32
      %dma_wait3A_664 = arith.constant 0 : i32
      %dma_wait3A_665 = tpu.memref_slice %arg3[%add3A_659, %dma_wait3A_663, %dma_wait3A_664] : memref<10240x1x32xi32, #tpu.memory_space<hbm>> -> memref<1x1x32xi32, #tpu.memory_space<hbm>>
      %dma_wait3A_666 = tpu.memref_squeeze %dma_wait3A_665 : memref<1x1x32xi32, #tpu.memory_space<hbm>> -> memref<1x32xi32, #tpu.memory_space<hbm>>
      %dma_wait3A_667 = arith.constant 3 : i32
      %dma_wait3A_668 = arith.constant 0 : i32
      %dma_wait3A_669 = tpu.memref_slice %arg7[%dma_wait3A_667, %dma_wait3A_668] : memref<4x32xi32, #tpu.memory_space<vmem>> -> memref<1x32xi32, #tpu.memory_space<vmem>>
      %dma_wait3A_670 = arith.constant 0 : i32
      %dma_wait3A_671 = arith.constant 0 : i32
      %dma_wait3A_672 = tpu.memref_slice %arg3[%add3A_659, %dma_wait3A_670, %dma_wait3A_671] : memref<10240x1x32xi32, #tpu.memory_space<hbm>> -> memref<1x1x32xi32, #tpu.memory_space<hbm>>
      %dma_wait3A_673 = tpu.memref_squeeze %dma_wait3A_672 : memref<1x1x32xi32, #tpu.memory_space<hbm>> -> memref<1x32xi32, #tpu.memory_space<hbm>>
      tpu.wait_dma2 semaphore(%arg18 : memref<!tpu.dma_semaphore, #tpu.memory_space<semaphore_mem>>) src(%dma_wait3A_673 : memref<1x32xi32, #tpu.memory_space<hbm>>) dst(%dma_wait3A_669 : memref<1x32xi32, #tpu.memory_space<vmem>>)
      %add3A_674 = arith.addi %mul3A_658, %min3A_656 : i32
      %dma_wait3A_675 = arith.constant 3 : i32
      %dma_wait3A_676 = arith.constant 0 : i32
      %dma_wait3A_677 = tpu.memref_slice %arg8[%dma_wait3A_675, %dma_wait3A_676] : memref<4x32xi32, #tpu.memory_space<vmem>> -> memref<1x32xi32, #tpu.memory_space<vmem>>
      %dma_wait3A_678 = arith.constant 0 : i32
      %dma_wait3A_679 = arith.constant 0 : i32
      %dma_wait3A_680 = tpu.memref_slice %arg4[%add3A_674, %dma_wait3A_678, %dma_wait3A_679] : memref<10240x1x32xi32, #tpu.memory_space<hbm>> -> memref<1x1x32xi32, #tpu.memory_space<hbm>>
      %dma_wait3A_681 = tpu.memref_squeeze %dma_wait3A_680 : memref<1x1x32xi32, #tpu.memory_space<hbm>> -> memref<1x32xi32, #tpu.memory_space<hbm>>
      %dma_wait3A_682 = arith.constant 3 : i32
      %dma_wait3A_683 = arith.constant 0 : i32
      %dma_wait3A_684 = tpu.memref_slice %arg8[%dma_wait3A_682, %dma_wait3A_683] : memref<4x32xi32, #tpu.memory_space<vmem>> -> memref<1x32xi32, #tpu.memory_space<vmem>>
      %dma_wait3A_685 = arith.constant 0 : i32
      %dma_wait3A_686 = arith.constant 0 : i32
      %dma_wait3A_687 = tpu.memref_slice %arg4[%add3A_674, %dma_wait3A_685, %dma_wait3A_686] : memref<10240x1x32xi32, #tpu.memory_space<hbm>> -> memref<1x1x32xi32, #tpu.memory_space<hbm>>
      %dma_wait3A_688 = tpu.memref_squeeze %dma_wait3A_687 : memref<1x1x32xi32, #tpu.memory_space<hbm>> -> memref<1x32xi32, #tpu.memory_space<hbm>>
      tpu.wait_dma2 semaphore(%arg22 : memref<!tpu.dma_semaphore, #tpu.memory_space<semaphore_mem>>) src(%dma_wait3A_688 : memref<1x32xi32, #tpu.memory_space<hbm>>) dst(%dma_wait3A_684 : memref<1x32xi32, #tpu.memory_space<vmem>>)
      %mul3A_689 = arith.constant 5000 : i32
      %mul3A_690 = arith.muli %arg0, %mul3A_689 : i32
      %get3A_691 = arith.constant 3 : i32
      %get3A_692 = arith.index_cast %get3A_691 : i32 to index
      %get3A_693 = arith.constant 0 : index
      %get3A_694 = tpu.vector_load %arg7[%get3A_692, %get3A_693] {strides = array<i32>} : memref<4x32xi32, #tpu.memory_space<vmem>>, vector<1x16xi32>,
      %get3A_695 = vector.shape_cast %get3A_694 : vector<1x16xi32> to vector<16xi32>
      %get3A_696 = arith.constant 3 : i32
      %get3A_697 = arith.index_cast %get3A_696 : i32 to index
      %get3A_698 = arith.constant 0 : index
      %get3A_699 = tpu.vector_load %arg8[%get3A_697, %get3A_698] {strides = array<i32>} : memref<4x32xi32, #tpu.memory_space<vmem>>, vector<1x16xi32>,
      %get3A_700 = vector.shape_cast %get3A_699 : vector<1x16xi32> to vector<16xi32>
      %sub3A_701 = vector.broadcast %mul3A_690 : i32 to vector<16xi32>
      %sub3A_702 = arith.subi %get3A_700, %sub3A_701 : vector<16xi32>
      %lt3A_703 = arith.constant 0 : i32
      %lt3A_704 = vector.broadcast %lt3A_703 : i32 to vector<16xi32>
      %lt3A_705 = arith.cmpi slt, %sub3A_702, %lt3A_704 : vector<16xi32>
      %ge3A_706 = arith.constant 5000 : i32
      %ge3A_707 = vector.broadcast %ge3A_706 : i32 to vector<16xi32>
      %ge3A_708 = arith.cmpi sge, %sub3A_702, %ge3A_707 : vector<16xi32>
      %or3A_709 = arith.ori %lt3A_705, %ge3A_708 : vector<16xi1>
      %and3A_710 = arith.constant 4095 : i32
      %and3A_711 = vector.broadcast %and3A_710 : i32 to vector<16xi32>
      %and3A_712 = arith.andi %get3A_700, %and3A_711 : vector<16xi32>
      %select_n3A_713 = arith.select %or3A_709, %and3A_712, %sub3A_702 : vector<16xi1>, vector<16xi32>
      %swap3A_714 = arith.constant 3 : i32
      %swap3A_715 = arith.index_cast %swap3A_714 : i32 to index
      %swap3A_716 = arith.constant 0 : index
      %swap3A_717 = tpu.vector_load %arg8[%swap3A_715, %swap3A_716] {strides = array<i32>} : memref<4x32xi32, #tpu.memory_space<vmem>>, vector<1x16xi32>,
      %swap3A_718 = vector.shape_cast %swap3A_717 : vector<1x16xi32> to vector<16xi32>
      %swap3A_719 = vector.shape_cast %select_n3A_713 : vector<16xi32> to vector<1x16xi32>
      tpu.vector_store %arg8[%swap3A_715, %swap3A_716], %swap3A_719 {strides = array<i32>} : memref<4x32xi32, #tpu.memory_space<vmem>>, vector<1x16xi32>,
      %jit3A_720 = arith.constant 10104 : i32
      %broadcast_in_dim3A_721 = vector.broadcast %jit3A_720 : i32 to vector<16xi32>
      %select_n3A_722 = arith.select %or3A_709, %broadcast_in_dim3A_721, %get3A_695 : vector<16xi1>, vector<16xi32>
      %swap3A_723 = arith.constant 3 : i32
      %swap3A_724 = arith.index_cast %swap3A_723 : i32 to index
      %swap3A_725 = arith.constant 0 : index
      %swap3A_726 = tpu.vector_load %arg7[%swap3A_724, %swap3A_725] {strides = array<i32>} : memref<4x32xi32, #tpu.memory_space<vmem>>, vector<1x16xi32>,
      %swap3A_727 = vector.shape_cast %swap3A_726 : vector<1x16xi32> to vector<16xi32>
      %swap3A_728 = vector.shape_cast %select_n3A_722 : vector<16xi32> to vector<1x16xi32>
      tpu.vector_store %arg7[%swap3A_724, %swap3A_725], %swap3A_728 {strides = array<i32>} : memref<4x32xi32, #tpu.memory_space<vmem>>, vector<1x16xi32>,
      %get3A_729 = arith.constant 3 : i32
      %get3A_730 = arith.index_cast %get3A_729 : i32 to index
      %get3A_731 = arith.constant 16 : index
      %get3A_732 = tpu.vector_load %arg7[%get3A_730, %get3A_731] {strides = array<i32>} : memref<4x32xi32, #tpu.memory_space<vmem>>, vector<1x16xi32>,
      %get3A_733 = vector.shape_cast %get3A_732 : vector<1x16xi32> to vector<16xi32>
      %get3A_734 = arith.constant 3 : i32
      %get3A_735 = arith.index_cast %get3A_734 : i32 to index
      %get3A_736 = arith.constant 16 : index
      %get3A_737 = tpu.vector_load %arg8[%get3A_735, %get3A_736] {strides = array<i32>} : memref<4x32xi32, #tpu.memory_space<vmem>>, vector<1x16xi32>,
      %get3A_738 = vector.shape_cast %get3A_737 : vector<1x16xi32> to vector<16xi32>
      %sub3A_739 = vector.broadcast %mul3A_690 : i32 to vector<16xi32>
      %sub3A_740 = arith.subi %get3A_738, %sub3A_739 : vector<16xi32>
      %lt3A_741 = arith.constant 0 : i32
      %lt3A_742 = vector.broadcast %lt3A_741 : i32 to vector<16xi32>
      %lt3A_743 = arith.cmpi slt, %sub3A_740, %lt3A_742 : vector<16xi32>
      %ge3A_744 = arith.constant 5000 : i32
      %ge3A_745 = vector.broadcast %ge3A_744 : i32 to vector<16xi32>
      %ge3A_746 = arith.cmpi sge, %sub3A_740, %ge3A_745 : vector<16xi32>
      %or3A_747 = arith.ori %lt3A_743, %ge3A_746 : vector<16xi1>
      %and3A_748 = arith.constant 4095 : i32
      %and3A_749 = vector.broadcast %and3A_748 : i32 to vector<16xi32>
      %and3A_750 = arith.andi %get3A_738, %and3A_749 : vector<16xi32>
      %select_n3A_751 = arith.select %or3A_747, %and3A_750, %sub3A_740 : vector<16xi1>, vector<16xi32>
      %swap3A_752 = arith.constant 3 : i32
      %swap3A_753 = arith.index_cast %swap3A_752 : i32 to index
      %swap3A_754 = arith.constant 16 : index
      %swap3A_755 = tpu.vector_load %arg8[%swap3A_753, %swap3A_754] {strides = array<i32>} : memref<4x32xi32, #tpu.memory_space<vmem>>, vector<1x16xi32>,
      %swap3A_756 = vector.shape_cast %swap3A_755 : vector<1x16xi32> to vector<16xi32>
      %swap3A_757 = vector.shape_cast %select_n3A_751 : vector<16xi32> to vector<1x16xi32>
      tpu.vector_store %arg8[%swap3A_753, %swap3A_754], %swap3A_757 {strides = array<i32>} : memref<4x32xi32, #tpu.memory_space<vmem>>, vector<1x16xi32>,
      %jit3A_758 = arith.constant 10104 : i32
      %broadcast_in_dim3A_759 = vector.broadcast %jit3A_758 : i32 to vector<16xi32>
      %select_n3A_760 = arith.select %or3A_747, %broadcast_in_dim3A_759, %get3A_733 : vector<16xi1>, vector<16xi32>
      %swap3A_761 = arith.constant 3 : i32
      %swap3A_762 = arith.index_cast %swap3A_761 : i32 to index
      %swap3A_763 = arith.constant 16 : index
      %swap3A_764 = tpu.vector_load %arg7[%swap3A_762, %swap3A_763] {strides = array<i32>} : memref<4x32xi32, #tpu.memory_space<vmem>>, vector<1x16xi32>,
      %swap3A_765 = vector.shape_cast %swap3A_764 : vector<1x16xi32> to vector<16xi32>
      %swap3A_766 = vector.shape_cast %select_n3A_760 : vector<16xi32> to vector<1x16xi32>
      tpu.vector_store %arg7[%swap3A_762, %swap3A_763], %swap3A_766 {strides = array<i32>} : memref<4x32xi32, #tpu.memory_space<vmem>>, vector<1x16xi32>,
      %add3A_767 = arith.constant 2 : i32
      %add3A_768 = arith.addi %add3A_644, %add3A_767 : i32
      %min3A_769 = arith.constant 639 : i32
      %min3A_770 = arith.minsi %add3A_768, %min3A_769 : i32
      %dma_start3A_771 = arith.constant 3 : i32
      %dma_start3A_772 = arith.constant 0 : i32
      %dma_start3A_773 = tpu.memref_slice %arg7[%dma_start3A_771, %dma_start3A_772] : memref<4x32xi32, #tpu.memory_space<vmem>> -> memref<1x32xi32, #tpu.memory_space<vmem>>
      %dma_start3A_774 = tpu.memref_squeeze %dma_start3A_773 : memref<1x32xi32, #tpu.memory_space<vmem>> -> memref<32xi32, #tpu.memory_space<vmem>>
      %dma_start3A_775 = arith.constant 0 : i32
      %dma_start3A_776 = arith.constant 0 : i32
      %dma_start3A_777 = tpu.memref_slice %arg11[%dma_start3A_775, %dma_start3A_776] : memref<10112x128xf32, #tpu.memory_space<vmem_shared>> -> memref<10112x128xf32, #tpu.memory_space<vmem_shared>>
      tpu.enqueue_indirect_dma source(%dma_start3A_777 : memref<10112x128xf32, #tpu.memory_space<vmem_shared>>) target(%arg10 : memref<32x128xf32, #tpu.memory_space<vmem>>) offsets(%dma_start3A_774 : memref<32xi32, #tpu.memory_space<vmem>>) semaphore(%arg14 : memref<!tpu.dma_semaphore, #tpu.memory_space<semaphore_mem>>)
      %add3A_778 = arith.constant 4 : i32
      %add3A_779 = arith.addi %add3A_644, %add3A_778 : i32
      %min3A_780 = arith.constant 639 : i32
      %min3A_781 = arith.minsi %add3A_779, %min3A_780 : i32
      %mul3A_782 = arith.constant 640 : i32
      %mul3A_783 = arith.muli %arg1, %mul3A_782 : i32
      %add3A_784 = arith.addi %mul3A_783, %min3A_781 : i32
      %dma_start3A_785 = arith.constant 1 : i32
      %dma_start3A_786 = arith.constant 0 : i32
      %dma_start3A_787 = tpu.memref_slice %arg7[%dma_start3A_785, %dma_start3A_786] : memref<4x32xi32, #tpu.memory_space<vmem>> -> memref<1x32xi32, #tpu.memory_space<vmem>>
      %dma_start3A_788 = arith.constant 0 : i32
      %dma_start3A_789 = arith.constant 0 : i32
      %dma_start3A_790 = tpu.memref_slice %arg3[%add3A_784, %dma_start3A_788, %dma_start3A_789] : memref<10240x1x32xi32, #tpu.memory_space<hbm>> -> memref<1x1x32xi32, #tpu.memory_space<hbm>>
      %dma_start3A_791 = tpu.memref_squeeze %dma_start3A_790 : memref<1x1x32xi32, #tpu.memory_space<hbm>> -> memref<1x32xi32, #tpu.memory_space<hbm>>
      %dma_start3A_792 = arith.constant 1 : i32
      %dma_start3A_793 = arith.constant 0 : i32
      %dma_start3A_794 = tpu.memref_slice %arg7[%dma_start3A_792, %dma_start3A_793] : memref<4x32xi32, #tpu.memory_space<vmem>> -> memref<1x32xi32, #tpu.memory_space<vmem>>
      %dma_start3A_795 = arith.constant 0 : i32
      %dma_start3A_796 = arith.constant 0 : i32
      %dma_start3A_797 = tpu.memref_slice %arg3[%add3A_784, %dma_start3A_795, %dma_start3A_796] : memref<10240x1x32xi32, #tpu.memory_space<hbm>> -> memref<1x1x32xi32, #tpu.memory_space<hbm>>
      %dma_start3A_798 = tpu.memref_squeeze %dma_start3A_797 : memref<1x1x32xi32, #tpu.memory_space<hbm>> -> memref<1x32xi32, #tpu.memory_space<hbm>>
      tpu.enqueue_dma source(%dma_start3A_798 : memref<1x32xi32, #tpu.memory_space<hbm>>) target(%dma_start3A_794 : memref<1x32xi32, #tpu.memory_space<vmem>>) target_semaphore(%arg16 : memref<!tpu.dma_semaphore, #tpu.memory_space<semaphore_mem>>)
      %add3A_799 = arith.addi %mul3A_783, %min3A_781 : i32
      %dma_start3A_800 = arith.constant 1 : i32
      %dma_start3A_801 = arith.constant 0 : i32
      %dma_start3A_802 = tpu.memref_slice %arg8[%dma_start3A_800, %dma_start3A_801] : memref<4x32xi32, #tpu.memory_space<vmem>> -> memref<1x32xi32, #tpu.memory_space<vmem>>
      %dma_start3A_803 = arith.constant 0 : i32
      %dma_start3A_804 = arith.constant 0 : i32
      %dma_start3A_805 = tpu.memref_slice %arg4[%add3A_799, %dma_start3A_803, %dma_start3A_804] : memref<10240x1x32xi32, #tpu.memory_space<hbm>> -> memref<1x1x32xi32, #tpu.memory_space<hbm>>
      %dma_start3A_806 = tpu.memref_squeeze %dma_start3A_805 : memref<1x1x32xi32, #tpu.memory_space<hbm>> -> memref<1x32xi32, #tpu.memory_space<hbm>>
      %dma_start3A_807 = arith.constant 1 : i32
      %dma_start3A_808 = arith.constant 0 : i32
      %dma_start3A_809 = tpu.memref_slice %arg8[%dma_start3A_807, %dma_start3A_808] : memref<4x32xi32, #tpu.memory_space<vmem>> -> memref<1x32xi32, #tpu.memory_space<vmem>>
      %dma_start3A_810 = arith.constant 0 : i32
      %dma_start3A_811 = arith.constant 0 : i32
      %dma_start3A_812 = tpu.memref_slice %arg4[%add3A_799, %dma_start3A_810, %dma_start3A_811] : memref<10240x1x32xi32, #tpu.memory_space<hbm>> -> memref<1x1x32xi32, #tpu.memory_space<hbm>>
      %dma_start3A_813 = tpu.memref_squeeze %dma_start3A_812 : memref<1x1x32xi32, #tpu.memory_space<hbm>> -> memref<1x32xi32, #tpu.memory_space<hbm>>
      tpu.enqueue_dma source(%dma_start3A_813 : memref<1x32xi32, #tpu.memory_space<hbm>>) target(%dma_start3A_809 : memref<1x32xi32, #tpu.memory_space<vmem>>) target_semaphore(%arg20 : memref<!tpu.dma_semaphore, #tpu.memory_space<semaphore_mem>>)
      %mul3A_814 = arith.constant 4 : i32
      %mul3A_815 = arith.muli %scan3A_469, %mul3A_814 : i32
      %add3A_816 = arith.constant 2 : i32
      %add3A_817 = arith.addi %mul3A_815, %add3A_816 : i32
      %dma_wait3A_818 = arith.constant 2 : i32
      %dma_wait3A_819 = arith.constant 0 : i32
      %dma_wait3A_820 = tpu.memref_slice %arg7[%dma_wait3A_818, %dma_wait3A_819] : memref<4x32xi32, #tpu.memory_space<vmem>> -> memref<1x32xi32, #tpu.memory_space<vmem>>
      %dma_wait3A_821 = tpu.memref_squeeze %dma_wait3A_820 : memref<1x32xi32, #tpu.memory_space<vmem>> -> memref<32xi32, #tpu.memory_space<vmem>>
      %dma_wait3A_822 = arith.constant 0 : i32
      %dma_wait3A_823 = arith.constant 0 : i32
      %dma_wait3A_824 = tpu.memref_slice %arg11[%dma_wait3A_822, %dma_wait3A_823] : memref<10112x128xf32, #tpu.memory_space<vmem_shared>> -> memref<10112x128xf32, #tpu.memory_space<vmem_shared>>
      tpu.wait_indirect_dma semaphore(%arg13 : memref<!tpu.dma_semaphore, #tpu.memory_space<semaphore_mem>>) src(%dma_wait3A_824 : memref<10112x128xf32, #tpu.memory_space<vmem_shared>>) dst(%arg9 : memref<32x128xf32, #tpu.memory_space<vmem>>)
      %run_scoped3A_825 = arith.constant 2 : i32
      "tpu.region"() ({
        %run_scoped3A_1160 = tpu.sem_alloc : memref<!tpu.dma_semaphore, #tpu.memory_space<semaphore_mem>>
        %dma_start3A_1161 = arith.constant 0 : i32
        %dma_start3A_1162 = tpu.memref_slice %arg8[%run_scoped3A_825, %dma_start3A_1161] : memref<4x32xi32, #tpu.memory_space<vmem>> -> memref<1x32xi32, #tpu.memory_space<vmem>>
        %dma_start3A_1163 = tpu.memref_squeeze %dma_start3A_1162 : memref<1x32xi32, #tpu.memory_space<vmem>> -> memref<32xi32, #tpu.memory_space<vmem>>
        %dma_start3A_1164 = arith.constant 0 : i32
        %dma_start3A_1165 = arith.constant 0 : i32
        %dma_start3A_1166 = tpu.memref_slice %arg12[%dma_start3A_1164, %dma_start3A_1165] : memref<5120x128xf32, #tpu.memory_space<vmem_shared>> -> memref<5120x128xf32, #tpu.memory_space<vmem_shared>>
        tpu.enqueue_indirect_dma source(%arg9 : memref<32x128xf32, #tpu.memory_space<vmem>>) target(%dma_start3A_1166 : memref<5120x128xf32, #tpu.memory_space<vmem_shared>>) offsets(%dma_start3A_1163 : memref<32xi32, #tpu.memory_space<vmem>>) semaphore(%run_scoped3A_1160 : memref<!tpu.dma_semaphore, #tpu.memory_space<semaphore_mem>>) {add = true}
        %dma_wait3A_1167 = arith.constant 0 : i32
        %dma_wait3A_1168 = tpu.memref_slice %arg8[%run_scoped3A_825, %dma_wait3A_1167] : memref<4x32xi32, #tpu.memory_space<vmem>> -> memref<1x32xi32, #tpu.memory_space<vmem>>
        %dma_wait3A_1169 = tpu.memref_squeeze %dma_wait3A_1168 : memref<1x32xi32, #tpu.memory_space<vmem>> -> memref<32xi32, #tpu.memory_space<vmem>>
        %dma_wait3A_1170 = arith.constant 0 : i32
        %dma_wait3A_1171 = arith.constant 0 : i32
        %dma_wait3A_1172 = tpu.memref_slice %arg12[%dma_wait3A_1170, %dma_wait3A_1171] : memref<5120x128xf32, #tpu.memory_space<vmem_shared>> -> memref<5120x128xf32, #tpu.memory_space<vmem_shared>>
        tpu.wait_indirect_dma semaphore(%run_scoped3A_1160 : memref<!tpu.dma_semaphore, #tpu.memory_space<semaphore_mem>>) src(%arg9 : memref<32x128xf32, #tpu.memory_space<vmem>>) dst(%dma_wait3A_1172 : memref<5120x128xf32, #tpu.memory_space<vmem_shared>>)
        tpu.yield
      }) : () -> ()
      %add3A_826 = arith.constant 2 : i32
      %add3A_827 = arith.addi %add3A_817, %add3A_826 : i32
      %min3A_828 = arith.constant 639 : i32
      %min3A_829 = arith.minsi %add3A_827, %min3A_828 : i32
      %mul3A_830 = arith.constant 640 : i32
      %mul3A_831 = arith.muli %arg1, %mul3A_830 : i32
      %add3A_832 = arith.addi %mul3A_831, %min3A_829 : i32
      %dma_wait3A_833 = arith.constant 0 : i32
      %dma_wait3A_834 = arith.constant 0 : i32
      %dma_wait3A_835 = tpu.memref_slice %arg7[%dma_wait3A_833, %dma_wait3A_834] : memref<4x32xi32, #tpu.memory_space<vmem>> -> memref<1x32xi32, #tpu.memory_space<vmem>>
      %dma_wait3A_836 = arith.constant 0 : i32
      %dma_wait3A_837 = arith.constant 0 : i32
      %dma_wait3A_838 = tpu.memref_slice %arg3[%add3A_832, %dma_wait3A_836, %dma_wait3A_837] : memref<10240x1x32xi32, #tpu.memory_space<hbm>> -> memref<1x1x32xi32, #tpu.memory_space<hbm>>
      %dma_wait3A_839 = tpu.memref_squeeze %dma_wait3A_838 : memref<1x1x32xi32, #tpu.memory_space<hbm>> -> memref<1x32xi32, #tpu.memory_space<hbm>>
      %dma_wait3A_840 = arith.constant 0 : i32
      %dma_wait3A_841 = arith.constant 0 : i32
      %dma_wait3A_842 = tpu.memref_slice %arg7[%dma_wait3A_840, %dma_wait3A_841] : memref<4x32xi32, #tpu.memory_space<vmem>> -> memref<1x32xi32, #tpu.memory_space<vmem>>
      %dma_wait3A_843 = arith.constant 0 : i32
      %dma_wait3A_844 = arith.constant 0 : i32
      %dma_wait3A_845 = tpu.memref_slice %arg3[%add3A_832, %dma_wait3A_843, %dma_wait3A_844] : memref<10240x1x32xi32, #tpu.memory_space<hbm>> -> memref<1x1x32xi32, #tpu.memory_space<hbm>>
      %dma_wait3A_846 = tpu.memref_squeeze %dma_wait3A_845 : memref<1x1x32xi32, #tpu.memory_space<hbm>> -> memref<1x32xi32, #tpu.memory_space<hbm>>
      tpu.wait_dma2 semaphore(%arg15 : memref<!tpu.dma_semaphore, #tpu.memory_space<semaphore_mem>>) src(%dma_wait3A_846 : memref<1x32xi32, #tpu.memory_space<hbm>>) dst(%dma_wait3A_842 : memref<1x32xi32, #tpu.memory_space<vmem>>)
      %add3A_847 = arith.addi %mul3A_831, %min3A_829 : i32
      %dma_wait3A_848 = arith.constant 0 : i32
      %dma_wait3A_849 = arith.constant 0 : i32
      %dma_wait3A_850 = tpu.memref_slice %arg8[%dma_wait3A_848, %dma_wait3A_849] : memref<4x32xi32, #tpu.memory_space<vmem>> -> memref<1x32xi32, #tpu.memory_space<vmem>>
      %dma_wait3A_851 = arith.constant 0 : i32
      %dma_wait3A_852 = arith.constant 0 : i32
      %dma_wait3A_853 = tpu.memref_slice %arg4[%add3A_847, %dma_wait3A_851, %dma_wait3A_852] : memref<10240x1x32xi32, #tpu.memory_space<hbm>> -> memref<1x1x32xi32, #tpu.memory_space<hbm>>
      %dma_wait3A_854 = tpu.memref_squeeze %dma_wait3A_853 : memref<1x1x32xi32, #tpu.memory_space<hbm>> -> memref<1x32xi32, #tpu.memory_space<hbm>>
      %dma_wait3A_855 = arith.constant 0 : i32
      %dma_wait3A_856 = arith.constant 0 : i32
      %dma_wait3A_857 = tpu.memref_slice %arg8[%dma_wait3A_855, %dma_wait3A_856] : memref<4x32xi32, #tpu.memory_space<vmem>> -> memref<1x32xi32, #tpu.memory_space<vmem>>
      %dma_wait3A_858 = arith.constant 0 : i32
      %dma_wait3A_859 = arith.constant 0 : i32
      %dma_wait3A_860 = tpu.memref_slice %arg4[%add3A_847, %dma_wait3A_858, %dma_wait3A_859] : memref<10240x1x32xi32, #tpu.memory_space<hbm>> -> memref<1x1x32xi32, #tpu.memory_space<hbm>>
      %dma_wait3A_861 = tpu.memref_squeeze %dma_wait3A_860 : memref<1x1x32xi32, #tpu.memory_space<hbm>> -> memref<1x32xi32, #tpu.memory_space<hbm>>
      tpu.wait_dma2 semaphore(%arg19 : memref<!tpu.dma_semaphore, #tpu.memory_space<semaphore_mem>>) src(%dma_wait3A_861 : memref<1x32xi32, #tpu.memory_space<hbm>>) dst(%dma_wait3A_857 : memref<1x32xi32, #tpu.memory_space<vmem>>)
      %mul3A_862 = arith.constant 5000 : i32
      %mul3A_863 = arith.muli %arg0, %mul3A_862 : i32
      %get3A_864 = arith.constant 0 : i32
      %get3A_865 = arith.index_cast %get3A_864 : i32 to index
      %get3A_866 = arith.constant 0 : index
      %get3A_867 = tpu.vector_load %arg7[%get3A_865, %get3A_866] {strides = array<i32>} : memref<4x32xi32, #tpu.memory_space<vmem>>, vector<1x16xi32>,
      %get3A_868 = vector.shape_cast %get3A_867 : vector<1x16xi32> to vector<16xi32>
      %get3A_869 = arith.constant 0 : i32
      %get3A_870 = arith.index_cast %get3A_869 : i32 to index
      %get3A_871 = arith.constant 0 : index
      %get3A_872 = tpu.vector_load %arg8[%get3A_870, %get3A_871] {strides = array<i32>} : memref<4x32xi32, #tpu.memory_space<vmem>>, vector<1x16xi32>,
      %get3A_873 = vector.shape_cast %get3A_872 : vector<1x16xi32> to vector<16xi32>
      %sub3A_874 = vector.broadcast %mul3A_863 : i32 to vector<16xi32>
      %sub3A_875 = arith.subi %get3A_873, %sub3A_874 : vector<16xi32>
      %lt3A_876 = arith.constant 0 : i32
      %lt3A_877 = vector.broadcast %lt3A_876 : i32 to vector<16xi32>
      %lt3A_878 = arith.cmpi slt, %sub3A_875, %lt3A_877 : vector<16xi32>
      %ge3A_879 = arith.constant 5000 : i32
      %ge3A_880 = vector.broadcast %ge3A_879 : i32 to vector<16xi32>
      %ge3A_881 = arith.cmpi sge, %sub3A_875, %ge3A_880 : vector<16xi32>
      %or3A_882 = arith.ori %lt3A_878, %ge3A_881 : vector<16xi1>
      %and3A_883 = arith.constant 4095 : i32
      %and3A_884 = vector.broadcast %and3A_883 : i32 to vector<16xi32>
      %and3A_885 = arith.andi %get3A_873, %and3A_884 : vector<16xi32>
      %select_n3A_886 = arith.select %or3A_882, %and3A_885, %sub3A_875 : vector<16xi1>, vector<16xi32>
      %swap3A_887 = arith.constant 0 : i32
      %swap3A_888 = arith.index_cast %swap3A_887 : i32 to index
      %swap3A_889 = arith.constant 0 : index
      %swap3A_890 = tpu.vector_load %arg8[%swap3A_888, %swap3A_889] {strides = array<i32>} : memref<4x32xi32, #tpu.memory_space<vmem>>, vector<1x16xi32>,
      %swap3A_891 = vector.shape_cast %swap3A_890 : vector<1x16xi32> to vector<16xi32>
      %swap3A_892 = vector.shape_cast %select_n3A_886 : vector<16xi32> to vector<1x16xi32>
      tpu.vector_store %arg8[%swap3A_888, %swap3A_889], %swap3A_892 {strides = array<i32>} : memref<4x32xi32, #tpu.memory_space<vmem>>, vector<1x16xi32>,
      %jit3A_893 = arith.constant 10104 : i32
      %broadcast_in_dim3A_894 = vector.broadcast %jit3A_893 : i32 to vector<16xi32>
      %select_n3A_895 = arith.select %or3A_882, %broadcast_in_dim3A_894, %get3A_868 : vector<16xi1>, vector<16xi32>
      %swap3A_896 = arith.constant 0 : i32
      %swap3A_897 = arith.index_cast %swap3A_896 : i32 to index
      %swap3A_898 = arith.constant 0 : index
      %swap3A_899 = tpu.vector_load %arg7[%swap3A_897, %swap3A_898] {strides = array<i32>} : memref<4x32xi32, #tpu.memory_space<vmem>>, vector<1x16xi32>,
      %swap3A_900 = vector.shape_cast %swap3A_899 : vector<1x16xi32> to vector<16xi32>
      %swap3A_901 = vector.shape_cast %select_n3A_895 : vector<16xi32> to vector<1x16xi32>
      tpu.vector_store %arg7[%swap3A_897, %swap3A_898], %swap3A_901 {strides = array<i32>} : memref<4x32xi32, #tpu.memory_space<vmem>>, vector<1x16xi32>,
      %get3A_902 = arith.constant 0 : i32
      %get3A_903 = arith.index_cast %get3A_902 : i32 to index
      %get3A_904 = arith.constant 16 : index
      %get3A_905 = tpu.vector_load %arg7[%get3A_903, %get3A_904] {strides = array<i32>} : memref<4x32xi32, #tpu.memory_space<vmem>>, vector<1x16xi32>,
      %get3A_906 = vector.shape_cast %get3A_905 : vector<1x16xi32> to vector<16xi32>
      %get3A_907 = arith.constant 0 : i32
      %get3A_908 = arith.index_cast %get3A_907 : i32 to index
      %get3A_909 = arith.constant 16 : index
      %get3A_910 = tpu.vector_load %arg8[%get3A_908, %get3A_909] {strides = array<i32>} : memref<4x32xi32, #tpu.memory_space<vmem>>, vector<1x16xi32>,
      %get3A_911 = vector.shape_cast %get3A_910 : vector<1x16xi32> to vector<16xi32>
      %sub3A_912 = vector.broadcast %mul3A_863 : i32 to vector<16xi32>
      %sub3A_913 = arith.subi %get3A_911, %sub3A_912 : vector<16xi32>
      %lt3A_914 = arith.constant 0 : i32
      %lt3A_915 = vector.broadcast %lt3A_914 : i32 to vector<16xi32>
      %lt3A_916 = arith.cmpi slt, %sub3A_913, %lt3A_915 : vector<16xi32>
      %ge3A_917 = arith.constant 5000 : i32
      %ge3A_918 = vector.broadcast %ge3A_917 : i32 to vector<16xi32>
      %ge3A_919 = arith.cmpi sge, %sub3A_913, %ge3A_918 : vector<16xi32>
      %or3A_920 = arith.ori %lt3A_916, %ge3A_919 : vector<16xi1>
      %and3A_921 = arith.constant 4095 : i32
      %and3A_922 = vector.broadcast %and3A_921 : i32 to vector<16xi32>
      %and3A_923 = arith.andi %get3A_911, %and3A_922 : vector<16xi32>
      %select_n3A_924 = arith.select %or3A_920, %and3A_923, %sub3A_913 : vector<16xi1>, vector<16xi32>
      %swap3A_925 = arith.constant 0 : i32
      %swap3A_926 = arith.index_cast %swap3A_925 : i32 to index
      %swap3A_927 = arith.constant 16 : index
      %swap3A_928 = tpu.vector_load %arg8[%swap3A_926, %swap3A_927] {strides = array<i32>} : memref<4x32xi32, #tpu.memory_space<vmem>>, vector<1x16xi32>,
      %swap3A_929 = vector.shape_cast %swap3A_928 : vector<1x16xi32> to vector<16xi32>
      %swap3A_930 = vector.shape_cast %select_n3A_924 : vector<16xi32> to vector<1x16xi32>
      tpu.vector_store %arg8[%swap3A_926, %swap3A_927], %swap3A_930 {strides = array<i32>} : memref<4x32xi32, #tpu.memory_space<vmem>>, vector<1x16xi32>,
      %jit3A_931 = arith.constant 10104 : i32
      %broadcast_in_dim3A_932 = vector.broadcast %jit3A_931 : i32 to vector<16xi32>
      %select_n3A_933 = arith.select %or3A_920, %broadcast_in_dim3A_932, %get3A_906 : vector<16xi1>, vector<16xi32>
      %swap3A_934 = arith.constant 0 : i32
      %swap3A_935 = arith.index_cast %swap3A_934 : i32 to index
      %swap3A_936 = arith.constant 16 : index
      %swap3A_937 = tpu.vector_load %arg7[%swap3A_935, %swap3A_936] {strides = array<i32>} : memref<4x32xi32, #tpu.memory_space<vmem>>, vector<1x16xi32>,
      %swap3A_938 = vector.shape_cast %swap3A_937 : vector<1x16xi32> to vector<16xi32>
      %swap3A_939 = vector.shape_cast %select_n3A_933 : vector<16xi32> to vector<1x16xi32>
      tpu.vector_store %arg7[%swap3A_935, %swap3A_936], %swap3A_939 {strides = array<i32>} : memref<4x32xi32, #tpu.memory_space<vmem>>, vector<1x16xi32>,
      %add3A_940 = arith.constant 2 : i32
      %add3A_941 = arith.addi %add3A_817, %add3A_940 : i32
      %min3A_942 = arith.constant 639 : i32
      %min3A_943 = arith.minsi %add3A_941, %min3A_942 : i32
      %dma_start3A_944 = arith.constant 0 : i32
      %dma_start3A_945 = arith.constant 0 : i32
      %dma_start3A_946 = tpu.memref_slice %arg7[%dma_start3A_944, %dma_start3A_945] : memref<4x32xi32, #tpu.memory_space<vmem>> -> memref<1x32xi32, #tpu.memory_space<vmem>>
      %dma_start3A_947 = tpu.memref_squeeze %dma_start3A_946 : memref<1x32xi32, #tpu.memory_space<vmem>> -> memref<32xi32, #tpu.memory_space<vmem>>
      %dma_start3A_948 = arith.constant 0 : i32
      %dma_start3A_949 = arith.constant 0 : i32
      %dma_start3A_950 = tpu.memref_slice %arg11[%dma_start3A_948, %dma_start3A_949] : memref<10112x128xf32, #tpu.memory_space<vmem_shared>> -> memref<10112x128xf32, #tpu.memory_space<vmem_shared>>
      tpu.enqueue_indirect_dma source(%dma_start3A_950 : memref<10112x128xf32, #tpu.memory_space<vmem_shared>>) target(%arg9 : memref<32x128xf32, #tpu.memory_space<vmem>>) offsets(%dma_start3A_947 : memref<32xi32, #tpu.memory_space<vmem>>) semaphore(%arg13 : memref<!tpu.dma_semaphore, #tpu.memory_space<semaphore_mem>>)
      %add3A_951 = arith.constant 4 : i32
      %add3A_952 = arith.addi %add3A_817, %add3A_951 : i32
      %min3A_953 = arith.constant 639 : i32
      %min3A_954 = arith.minsi %add3A_952, %min3A_953 : i32
      %mul3A_955 = arith.constant 640 : i32
      %mul3A_956 = arith.muli %arg1, %mul3A_955 : i32
      %add3A_957 = arith.addi %mul3A_956, %min3A_954 : i32
      %dma_start3A_958 = arith.constant 2 : i32
      %dma_start3A_959 = arith.constant 0 : i32
      %dma_start3A_960 = tpu.memref_slice %arg7[%dma_start3A_958, %dma_start3A_959] : memref<4x32xi32, #tpu.memory_space<vmem>> -> memref<1x32xi32, #tpu.memory_space<vmem>>
      %dma_start3A_961 = arith.constant 0 : i32
      %dma_start3A_962 = arith.constant 0 : i32
      %dma_start3A_963 = tpu.memref_slice %arg3[%add3A_957, %dma_start3A_961, %dma_start3A_962] : memref<10240x1x32xi32, #tpu.memory_space<hbm>> -> memref<1x1x32xi32, #tpu.memory_space<hbm>>
      %dma_start3A_964 = tpu.memref_squeeze %dma_start3A_963 : memref<1x1x32xi32, #tpu.memory_space<hbm>> -> memref<1x32xi32, #tpu.memory_space<hbm>>
      %dma_start3A_965 = arith.constant 2 : i32
      %dma_start3A_966 = arith.constant 0 : i32
      %dma_start3A_967 = tpu.memref_slice %arg7[%dma_start3A_965, %dma_start3A_966] : memref<4x32xi32, #tpu.memory_space<vmem>> -> memref<1x32xi32, #tpu.memory_space<vmem>>
      %dma_start3A_968 = arith.constant 0 : i32
      %dma_start3A_969 = arith.constant 0 : i32
      %dma_start3A_970 = tpu.memref_slice %arg3[%add3A_957, %dma_start3A_968, %dma_start3A_969] : memref<10240x1x32xi32, #tpu.memory_space<hbm>> -> memref<1x1x32xi32, #tpu.memory_space<hbm>>
      %dma_start3A_971 = tpu.memref_squeeze %dma_start3A_970 : memref<1x1x32xi32, #tpu.memory_space<hbm>> -> memref<1x32xi32, #tpu.memory_space<hbm>>
      tpu.enqueue_dma source(%dma_start3A_971 : memref<1x32xi32, #tpu.memory_space<hbm>>) target(%dma_start3A_967 : memref<1x32xi32, #tpu.memory_space<vmem>>) target_semaphore(%arg17 : memref<!tpu.dma_semaphore, #tpu.memory_space<semaphore_mem>>)
      %add3A_972 = arith.addi %mul3A_956, %min3A_954 : i32
      %dma_start3A_973 = arith.constant 2 : i32
      %dma_start3A_974 = arith.constant 0 : i32
      %dma_start3A_975 = tpu.memref_slice %arg8[%dma_start3A_973, %dma_start3A_974] : memref<4x32xi32, #tpu.memory_space<vmem>> -> memref<1x32xi32, #tpu.memory_space<vmem>>
      %dma_start3A_976 = arith.constant 0 : i32
      %dma_start3A_977 = arith.constant 0 : i32
      %dma_start3A_978 = tpu.memref_slice %arg4[%add3A_972, %dma_start3A_976, %dma_start3A_977] : memref<10240x1x32xi32, #tpu.memory_space<hbm>> -> memref<1x1x32xi32, #tpu.memory_space<hbm>>
      %dma_start3A_979 = tpu.memref_squeeze %dma_start3A_978 : memref<1x1x32xi32, #tpu.memory_space<hbm>> -> memref<1x32xi32, #tpu.memory_space<hbm>>
      %dma_start3A_980 = arith.constant 2 : i32
      %dma_start3A_981 = arith.constant 0 : i32
      %dma_start3A_982 = tpu.memref_slice %arg8[%dma_start3A_980, %dma_start3A_981] : memref<4x32xi32, #tpu.memory_space<vmem>> -> memref<1x32xi32, #tpu.memory_space<vmem>>
      %dma_start3A_983 = arith.constant 0 : i32
      %dma_start3A_984 = arith.constant 0 : i32
      %dma_start3A_985 = tpu.memref_slice %arg4[%add3A_972, %dma_start3A_983, %dma_start3A_984] : memref<10240x1x32xi32, #tpu.memory_space<hbm>> -> memref<1x1x32xi32, #tpu.memory_space<hbm>>
      %dma_start3A_986 = tpu.memref_squeeze %dma_start3A_985 : memref<1x1x32xi32, #tpu.memory_space<hbm>> -> memref<1x32xi32, #tpu.memory_space<hbm>>
      tpu.enqueue_dma source(%dma_start3A_986 : memref<1x32xi32, #tpu.memory_space<hbm>>) target(%dma_start3A_982 : memref<1x32xi32, #tpu.memory_space<vmem>>) target_semaphore(%arg21 : memref<!tpu.dma_semaphore, #tpu.memory_space<semaphore_mem>>)
      %mul3A_987 = arith.constant 4 : i32
      %mul3A_988 = arith.muli %scan3A_469, %mul3A_987 : i32
      %add3A_989 = arith.constant 3 : i32
      %add3A_990 = arith.addi %mul3A_988, %add3A_989 : i32
      %dma_wait3A_991 = arith.constant 3 : i32
      %dma_wait3A_992 = arith.constant 0 : i32
      %dma_wait3A_993 = tpu.memref_slice %arg7[%dma_wait3A_991, %dma_wait3A_992] : memref<4x32xi32, #tpu.memory_space<vmem>> -> memref<1x32xi32, #tpu.memory_space<vmem>>
      %dma_wait3A_994 = tpu.memref_squeeze %dma_wait3A_993 : memref<1x32xi32, #tpu.memory_space<vmem>> -> memref<32xi32, #tpu.memory_space<vmem>>
      %dma_wait3A_995 = arith.constant 0 : i32
      %dma_wait3A_996 = arith.constant 0 : i32
      %dma_wait3A_997 = tpu.memref_slice %arg11[%dma_wait3A_995, %dma_wait3A_996] : memref<10112x128xf32, #tpu.memory_space<vmem_shared>> -> memref<10112x128xf32, #tpu.memory_space<vmem_shared>>
      tpu.wait_indirect_dma semaphore(%arg14 : memref<!tpu.dma_semaphore, #tpu.memory_space<semaphore_mem>>) src(%dma_wait3A_997 : memref<10112x128xf32, #tpu.memory_space<vmem_shared>>) dst(%arg10 : memref<32x128xf32, #tpu.memory_space<vmem>>)
      %run_scoped3A_998 = arith.constant 3 : i32
      "tpu.region"() ({
        %run_scoped3A_1160 = tpu.sem_alloc : memref<!tpu.dma_semaphore, #tpu.memory_space<semaphore_mem>>
        %dma_start3A_1161 = arith.constant 0 : i32
        %dma_start3A_1162 = tpu.memref_slice %arg8[%run_scoped3A_998, %dma_start3A_1161] : memref<4x32xi32, #tpu.memory_space<vmem>> -> memref<1x32xi32, #tpu.memory_space<vmem>>
        %dma_start3A_1163 = tpu.memref_squeeze %dma_start3A_1162 : memref<1x32xi32, #tpu.memory_space<vmem>> -> memref<32xi32, #tpu.memory_space<vmem>>
        %dma_start3A_1164 = arith.constant 0 : i32
        %dma_start3A_1165 = arith.constant 0 : i32
        %dma_start3A_1166 = tpu.memref_slice %arg12[%dma_start3A_1164, %dma_start3A_1165] : memref<5120x128xf32, #tpu.memory_space<vmem_shared>> -> memref<5120x128xf32, #tpu.memory_space<vmem_shared>>
        tpu.enqueue_indirect_dma source(%arg10 : memref<32x128xf32, #tpu.memory_space<vmem>>) target(%dma_start3A_1166 : memref<5120x128xf32, #tpu.memory_space<vmem_shared>>) offsets(%dma_start3A_1163 : memref<32xi32, #tpu.memory_space<vmem>>) semaphore(%run_scoped3A_1160 : memref<!tpu.dma_semaphore, #tpu.memory_space<semaphore_mem>>) {add = true}
        %dma_wait3A_1167 = arith.constant 0 : i32
        %dma_wait3A_1168 = tpu.memref_slice %arg8[%run_scoped3A_998, %dma_wait3A_1167] : memref<4x32xi32, #tpu.memory_space<vmem>> -> memref<1x32xi32, #tpu.memory_space<vmem>>
        %dma_wait3A_1169 = tpu.memref_squeeze %dma_wait3A_1168 : memref<1x32xi32, #tpu.memory_space<vmem>> -> memref<32xi32, #tpu.memory_space<vmem>>
        %dma_wait3A_1170 = arith.constant 0 : i32
        %dma_wait3A_1171 = arith.constant 0 : i32
        %dma_wait3A_1172 = tpu.memref_slice %arg12[%dma_wait3A_1170, %dma_wait3A_1171] : memref<5120x128xf32, #tpu.memory_space<vmem_shared>> -> memref<5120x128xf32, #tpu.memory_space<vmem_shared>>
        tpu.wait_indirect_dma semaphore(%run_scoped3A_1160 : memref<!tpu.dma_semaphore, #tpu.memory_space<semaphore_mem>>) src(%arg10 : memref<32x128xf32, #tpu.memory_space<vmem>>) dst(%dma_wait3A_1172 : memref<5120x128xf32, #tpu.memory_space<vmem_shared>>)
        tpu.yield
      }) : () -> ()
      %add3A_999 = arith.constant 2 : i32
      %add3A_1000 = arith.addi %add3A_990, %add3A_999 : i32
      %min3A_1001 = arith.constant 639 : i32
      %min3A_1002 = arith.minsi %add3A_1000, %min3A_1001 : i32
      %mul3A_1003 = arith.constant 640 : i32
      %mul3A_1004 = arith.muli %arg1, %mul3A_1003 : i32
      %add3A_1005 = arith.addi %mul3A_1004, %min3A_1002 : i32
      %dma_wait3A_1006 = arith.constant 1 : i32
      %dma_wait3A_1007 = arith.constant 0 : i32
      %dma_wait3A_1008 = tpu.memref_slice %arg7[%dma_wait3A_1006, %dma_wait3A_1007] : memref<4x32xi32, #tpu.memory_space<vmem>> -> memref<1x32xi32, #tpu.memory_space<vmem>>
      %dma_wait3A_1009 = arith.constant 0 : i32
      %dma_wait3A_1010 = arith.constant 0 : i32
      %dma_wait3A_1011 = tpu.memref_slice %arg3[%add3A_1005, %dma_wait3A_1009, %dma_wait3A_1010] : memref<10240x1x32xi32, #tpu.memory_space<hbm>> -> memref<1x1x32xi32, #tpu.memory_space<hbm>>
      %dma_wait3A_1012 = tpu.memref_squeeze %dma_wait3A_1011 : memref<1x1x32xi32, #tpu.memory_space<hbm>> -> memref<1x32xi32, #tpu.memory_space<hbm>>
      %dma_wait3A_1013 = arith.constant 1 : i32
      %dma_wait3A_1014 = arith.constant 0 : i32
      %dma_wait3A_1015 = tpu.memref_slice %arg7[%dma_wait3A_1013, %dma_wait3A_1014] : memref<4x32xi32, #tpu.memory_space<vmem>> -> memref<1x32xi32, #tpu.memory_space<vmem>>
      %dma_wait3A_1016 = arith.constant 0 : i32
      %dma_wait3A_1017 = arith.constant 0 : i32
      %dma_wait3A_1018 = tpu.memref_slice %arg3[%add3A_1005, %dma_wait3A_1016, %dma_wait3A_1017] : memref<10240x1x32xi32, #tpu.memory_space<hbm>> -> memref<1x1x32xi32, #tpu.memory_space<hbm>>
      %dma_wait3A_1019 = tpu.memref_squeeze %dma_wait3A_1018 : memref<1x1x32xi32, #tpu.memory_space<hbm>> -> memref<1x32xi32, #tpu.memory_space<hbm>>
      tpu.wait_dma2 semaphore(%arg16 : memref<!tpu.dma_semaphore, #tpu.memory_space<semaphore_mem>>) src(%dma_wait3A_1019 : memref<1x32xi32, #tpu.memory_space<hbm>>) dst(%dma_wait3A_1015 : memref<1x32xi32, #tpu.memory_space<vmem>>)
      %add3A_1020 = arith.addi %mul3A_1004, %min3A_1002 : i32
      %dma_wait3A_1021 = arith.constant 1 : i32
      %dma_wait3A_1022 = arith.constant 0 : i32
      %dma_wait3A_1023 = tpu.memref_slice %arg8[%dma_wait3A_1021, %dma_wait3A_1022] : memref<4x32xi32, #tpu.memory_space<vmem>> -> memref<1x32xi32, #tpu.memory_space<vmem>>
      %dma_wait3A_1024 = arith.constant 0 : i32
      %dma_wait3A_1025 = arith.constant 0 : i32
      %dma_wait3A_1026 = tpu.memref_slice %arg4[%add3A_1020, %dma_wait3A_1024, %dma_wait3A_1025] : memref<10240x1x32xi32, #tpu.memory_space<hbm>> -> memref<1x1x32xi32, #tpu.memory_space<hbm>>
      %dma_wait3A_1027 = tpu.memref_squeeze %dma_wait3A_1026 : memref<1x1x32xi32, #tpu.memory_space<hbm>> -> memref<1x32xi32, #tpu.memory_space<hbm>>
      %dma_wait3A_1028 = arith.constant 1 : i32
      %dma_wait3A_1029 = arith.constant 0 : i32
      %dma_wait3A_1030 = tpu.memref_slice %arg8[%dma_wait3A_1028, %dma_wait3A_1029] : memref<4x32xi32, #tpu.memory_space<vmem>> -> memref<1x32xi32, #tpu.memory_space<vmem>>
      %dma_wait3A_1031 = arith.constant 0 : i32
      %dma_wait3A_1032 = arith.constant 0 : i32
      %dma_wait3A_1033 = tpu.memref_slice %arg4[%add3A_1020, %dma_wait3A_1031, %dma_wait3A_1032] : memref<10240x1x32xi32, #tpu.memory_space<hbm>> -> memref<1x1x32xi32, #tpu.memory_space<hbm>>
      %dma_wait3A_1034 = tpu.memref_squeeze %dma_wait3A_1033 : memref<1x1x32xi32, #tpu.memory_space<hbm>> -> memref<1x32xi32, #tpu.memory_space<hbm>>
      tpu.wait_dma2 semaphore(%arg20 : memref<!tpu.dma_semaphore, #tpu.memory_space<semaphore_mem>>) src(%dma_wait3A_1034 : memref<1x32xi32, #tpu.memory_space<hbm>>) dst(%dma_wait3A_1030 : memref<1x32xi32, #tpu.memory_space<vmem>>)
      %mul3A_1035 = arith.constant 5000 : i32
      %mul3A_1036 = arith.muli %arg0, %mul3A_1035 : i32
      %get3A_1037 = arith.constant 1 : i32
      %get3A_1038 = arith.index_cast %get3A_1037 : i32 to index
      %get3A_1039 = arith.constant 0 : index
      %get3A_1040 = tpu.vector_load %arg7[%get3A_1038, %get3A_1039] {strides = array<i32>} : memref<4x32xi32, #tpu.memory_space<vmem>>, vector<1x16xi32>,
      %get3A_1041 = vector.shape_cast %get3A_1040 : vector<1x16xi32> to vector<16xi32>
      %get3A_1042 = arith.constant 1 : i32
      %get3A_1043 = arith.index_cast %get3A_1042 : i32 to index
      %get3A_1044 = arith.constant 0 : index
      %get3A_1045 = tpu.vector_load %arg8[%get3A_1043, %get3A_1044] {strides = array<i32>} : memref<4x32xi32, #tpu.memory_space<vmem>>, vector<1x16xi32>,
      %get3A_1046 = vector.shape_cast %get3A_1045 : vector<1x16xi32> to vector<16xi32>
      %sub3A_1047 = vector.broadcast %mul3A_1036 : i32 to vector<16xi32>
      %sub3A_1048 = arith.subi %get3A_1046, %sub3A_1047 : vector<16xi32>
      %lt3A_1049 = arith.constant 0 : i32
      %lt3A_1050 = vector.broadcast %lt3A_1049 : i32 to vector<16xi32>
      %lt3A_1051 = arith.cmpi slt, %sub3A_1048, %lt3A_1050 : vector<16xi32>
      %ge3A_1052 = arith.constant 5000 : i32
      %ge3A_1053 = vector.broadcast %ge3A_1052 : i32 to vector<16xi32>
      %ge3A_1054 = arith.cmpi sge, %sub3A_1048, %ge3A_1053 : vector<16xi32>
      %or3A_1055 = arith.ori %lt3A_1051, %ge3A_1054 : vector<16xi1>
      %and3A_1056 = arith.constant 4095 : i32
      %and3A_1057 = vector.broadcast %and3A_1056 : i32 to vector<16xi32>
      %and3A_1058 = arith.andi %get3A_1046, %and3A_1057 : vector<16xi32>
      %select_n3A_1059 = arith.select %or3A_1055, %and3A_1058, %sub3A_1048 : vector<16xi1>, vector<16xi32>
      %swap3A_1060 = arith.constant 1 : i32
      %swap3A_1061 = arith.index_cast %swap3A_1060 : i32 to index
      %swap3A_1062 = arith.constant 0 : index
      %swap3A_1063 = tpu.vector_load %arg8[%swap3A_1061, %swap3A_1062] {strides = array<i32>} : memref<4x32xi32, #tpu.memory_space<vmem>>, vector<1x16xi32>,
      %swap3A_1064 = vector.shape_cast %swap3A_1063 : vector<1x16xi32> to vector<16xi32>
      %swap3A_1065 = vector.shape_cast %select_n3A_1059 : vector<16xi32> to vector<1x16xi32>
      tpu.vector_store %arg8[%swap3A_1061, %swap3A_1062], %swap3A_1065 {strides = array<i32>} : memref<4x32xi32, #tpu.memory_space<vmem>>, vector<1x16xi32>,
      %jit3A_1066 = arith.constant 10104 : i32
      %broadcast_in_dim3A_1067 = vector.broadcast %jit3A_1066 : i32 to vector<16xi32>
      %select_n3A_1068 = arith.select %or3A_1055, %broadcast_in_dim3A_1067, %get3A_1041 : vector<16xi1>, vector<16xi32>
      %swap3A_1069 = arith.constant 1 : i32
      %swap3A_1070 = arith.index_cast %swap3A_1069 : i32 to index
      %swap3A_1071 = arith.constant 0 : index
      %swap3A_1072 = tpu.vector_load %arg7[%swap3A_1070, %swap3A_1071] {strides = array<i32>} : memref<4x32xi32, #tpu.memory_space<vmem>>, vector<1x16xi32>,
      %swap3A_1073 = vector.shape_cast %swap3A_1072 : vector<1x16xi32> to vector<16xi32>
      %swap3A_1074 = vector.shape_cast %select_n3A_1068 : vector<16xi32> to vector<1x16xi32>
      tpu.vector_store %arg7[%swap3A_1070, %swap3A_1071], %swap3A_1074 {strides = array<i32>} : memref<4x32xi32, #tpu.memory_space<vmem>>, vector<1x16xi32>,
      %get3A_1075 = arith.constant 1 : i32
      %get3A_1076 = arith.index_cast %get3A_1075 : i32 to index
      %get3A_1077 = arith.constant 16 : index
      %get3A_1078 = tpu.vector_load %arg7[%get3A_1076, %get3A_1077] {strides = array<i32>} : memref<4x32xi32, #tpu.memory_space<vmem>>, vector<1x16xi32>,
      %get3A_1079 = vector.shape_cast %get3A_1078 : vector<1x16xi32> to vector<16xi32>
      %get3A_1080 = arith.constant 1 : i32
      %get3A_1081 = arith.index_cast %get3A_1080 : i32 to index
      %get3A_1082 = arith.constant 16 : index
      %get3A_1083 = tpu.vector_load %arg8[%get3A_1081, %get3A_1082] {strides = array<i32>} : memref<4x32xi32, #tpu.memory_space<vmem>>, vector<1x16xi32>,
      %get3A_1084 = vector.shape_cast %get3A_1083 : vector<1x16xi32> to vector<16xi32>
      %sub3A_1085 = vector.broadcast %mul3A_1036 : i32 to vector<16xi32>
      %sub3A_1086 = arith.subi %get3A_1084, %sub3A_1085 : vector<16xi32>
      %lt3A_1087 = arith.constant 0 : i32
      %lt3A_1088 = vector.broadcast %lt3A_1087 : i32 to vector<16xi32>
      %lt3A_1089 = arith.cmpi slt, %sub3A_1086, %lt3A_1088 : vector<16xi32>
      %ge3A_1090 = arith.constant 5000 : i32
      %ge3A_1091 = vector.broadcast %ge3A_1090 : i32 to vector<16xi32>
      %ge3A_1092 = arith.cmpi sge, %sub3A_1086, %ge3A_1091 : vector<16xi32>
      %or3A_1093 = arith.ori %lt3A_1089, %ge3A_1092 : vector<16xi1>
      %and3A_1094 = arith.constant 4095 : i32
      %and3A_1095 = vector.broadcast %and3A_1094 : i32 to vector<16xi32>
      %and3A_1096 = arith.andi %get3A_1084, %and3A_1095 : vector<16xi32>
      %select_n3A_1097 = arith.select %or3A_1093, %and3A_1096, %sub3A_1086 : vector<16xi1>, vector<16xi32>
      %swap3A_1098 = arith.constant 1 : i32
      %swap3A_1099 = arith.index_cast %swap3A_1098 : i32 to index
      %swap3A_1100 = arith.constant 16 : index
      %swap3A_1101 = tpu.vector_load %arg8[%swap3A_1099, %swap3A_1100] {strides = array<i32>} : memref<4x32xi32, #tpu.memory_space<vmem>>, vector<1x16xi32>,
      %swap3A_1102 = vector.shape_cast %swap3A_1101 : vector<1x16xi32> to vector<16xi32>
      %swap3A_1103 = vector.shape_cast %select_n3A_1097 : vector<16xi32> to vector<1x16xi32>
      tpu.vector_store %arg8[%swap3A_1099, %swap3A_1100], %swap3A_1103 {strides = array<i32>} : memref<4x32xi32, #tpu.memory_space<vmem>>, vector<1x16xi32>,
      %jit3A_1104 = arith.constant 10104 : i32
      %broadcast_in_dim3A_1105 = vector.broadcast %jit3A_1104 : i32 to vector<16xi32>
      %select_n3A_1106 = arith.select %or3A_1093, %broadcast_in_dim3A_1105, %get3A_1079 : vector<16xi1>, vector<16xi32>
      %swap3A_1107 = arith.constant 1 : i32
      %swap3A_1108 = arith.index_cast %swap3A_1107 : i32 to index
      %swap3A_1109 = arith.constant 16 : index
      %swap3A_1110 = tpu.vector_load %arg7[%swap3A_1108, %swap3A_1109] {strides = array<i32>} : memref<4x32xi32, #tpu.memory_space<vmem>>, vector<1x16xi32>,
      %swap3A_1111 = vector.shape_cast %swap3A_1110 : vector<1x16xi32> to vector<16xi32>
      %swap3A_1112 = vector.shape_cast %select_n3A_1106 : vector<16xi32> to vector<1x16xi32>
      tpu.vector_store %arg7[%swap3A_1108, %swap3A_1109], %swap3A_1112 {strides = array<i32>} : memref<4x32xi32, #tpu.memory_space<vmem>>, vector<1x16xi32>,
      %add3A_1113 = arith.constant 2 : i32
      %add3A_1114 = arith.addi %add3A_990, %add3A_1113 : i32
      %min3A_1115 = arith.constant 639 : i32
      %min3A_1116 = arith.minsi %add3A_1114, %min3A_1115 : i32
      %dma_start3A_1117 = arith.constant 1 : i32
      %dma_start3A_1118 = arith.constant 0 : i32
      %dma_start3A_1119 = tpu.memref_slice %arg7[%dma_start3A_1117, %dma_start3A_1118] : memref<4x32xi32, #tpu.memory_space<vmem>> -> memref<1x32xi32, #tpu.memory_space<vmem>>
      %dma_start3A_1120 = tpu.memref_squeeze %dma_start3A_1119 : memref<1x32xi32, #tpu.memory_space<vmem>> -> memref<32xi32, #tpu.memory_space<vmem>>
      %dma_start3A_1121 = arith.constant 0 : i32
      %dma_start3A_1122 = arith.constant 0 : i32
      %dma_start3A_1123 = tpu.memref_slice %arg11[%dma_start3A_1121, %dma_start3A_1122] : memref<10112x128xf32, #tpu.memory_space<vmem_shared>> -> memref<10112x128xf32, #tpu.memory_space<vmem_shared>>
      tpu.enqueue_indirect_dma source(%dma_start3A_1123 : memref<10112x128xf32, #tpu.memory_space<vmem_shared>>) target(%arg10 : memref<32x128xf32, #tpu.memory_space<vmem>>) offsets(%dma_start3A_1120 : memref<32xi32, #tpu.memory_space<vmem>>) semaphore(%arg14 : memref<!tpu.dma_semaphore, #tpu.memory_space<semaphore_mem>>)
      %add3A_1124 = arith.constant 4 : i32
      %add3A_1125 = arith.addi %add3A_990, %add3A_1124 : i32
      %min3A_1126 = arith.constant 639 : i32
      %min3A_1127 = arith.minsi %add3A_1125, %min3A_1126 : i32
      %mul3A_1128 = arith.constant 640 : i32
      %mul3A_1129 = arith.muli %arg1, %mul3A_1128 : i32
      %add3A_1130 = arith.addi %mul3A_1129, %min3A_1127 : i32
      %dma_start3A_1131 = arith.constant 3 : i32
      %dma_start3A_1132 = arith.constant 0 : i32
      %dma_start3A_1133 = tpu.memref_slice %arg7[%dma_start3A_1131, %dma_start3A_1132] : memref<4x32xi32, #tpu.memory_space<vmem>> -> memref<1x32xi32, #tpu.memory_space<vmem>>
      %dma_start3A_1134 = arith.constant 0 : i32
      %dma_start3A_1135 = arith.constant 0 : i32
      %dma_start3A_1136 = tpu.memref_slice %arg3[%add3A_1130, %dma_start3A_1134, %dma_start3A_1135] : memref<10240x1x32xi32, #tpu.memory_space<hbm>> -> memref<1x1x32xi32, #tpu.memory_space<hbm>>
      %dma_start3A_1137 = tpu.memref_squeeze %dma_start3A_1136 : memref<1x1x32xi32, #tpu.memory_space<hbm>> -> memref<1x32xi32, #tpu.memory_space<hbm>>
      %dma_start3A_1138 = arith.constant 3 : i32
      %dma_start3A_1139 = arith.constant 0 : i32
      %dma_start3A_1140 = tpu.memref_slice %arg7[%dma_start3A_1138, %dma_start3A_1139] : memref<4x32xi32, #tpu.memory_space<vmem>> -> memref<1x32xi32, #tpu.memory_space<vmem>>
      %dma_start3A_1141 = arith.constant 0 : i32
      %dma_start3A_1142 = arith.constant 0 : i32
      %dma_start3A_1143 = tpu.memref_slice %arg3[%add3A_1130, %dma_start3A_1141, %dma_start3A_1142] : memref<10240x1x32xi32, #tpu.memory_space<hbm>> -> memref<1x1x32xi32, #tpu.memory_space<hbm>>
      %dma_start3A_1144 = tpu.memref_squeeze %dma_start3A_1143 : memref<1x1x32xi32, #tpu.memory_space<hbm>> -> memref<1x32xi32, #tpu.memory_space<hbm>>
      tpu.enqueue_dma source(%dma_start3A_1144 : memref<1x32xi32, #tpu.memory_space<hbm>>) target(%dma_start3A_1140 : memref<1x32xi32, #tpu.memory_space<vmem>>) target_semaphore(%arg18 : memref<!tpu.dma_semaphore, #tpu.memory_space<semaphore_mem>>)
      %add3A_1145 = arith.addi %mul3A_1129, %min3A_1127 : i32
      %dma_start3A_1146 = arith.constant 3 : i32
      %dma_start3A_1147 = arith.constant 0 : i32
      %dma_start3A_1148 = tpu.memref_slice %arg8[%dma_start3A_1146, %dma_start3A_1147] : memref<4x32xi32, #tpu.memory_space<vmem>> -> memref<1x32xi32, #tpu.memory_space<vmem>>
      %dma_start3A_1149 = arith.constant 0 : i32
      %dma_start3A_1150 = arith.constant 0 : i32
      %dma_start3A_1151 = tpu.memref_slice %arg4[%add3A_1145, %dma_start3A_1149, %dma_start3A_1150] : memref<10240x1x32xi32, #tpu.memory_space<hbm>> -> memref<1x1x32xi32, #tpu.memory_space<hbm>>
      %dma_start3A_1152 = tpu.memref_squeeze %dma_start3A_1151 : memref<1x1x32xi32, #tpu.memory_space<hbm>> -> memref<1x32xi32, #tpu.memory_space<hbm>>
      %dma_start3A_1153 = arith.constant 3 : i32
      %dma_start3A_1154 = arith.constant 0 : i32
      %dma_start3A_1155 = tpu.memref_slice %arg8[%dma_start3A_1153, %dma_start3A_1154] : memref<4x32xi32, #tpu.memory_space<vmem>> -> memref<1x32xi32, #tpu.memory_space<vmem>>
      %dma_start3A_1156 = arith.constant 0 : i32
      %dma_start3A_1157 = arith.constant 0 : i32
      %dma_start3A_1158 = tpu.memref_slice %arg4[%add3A_1145, %dma_start3A_1156, %dma_start3A_1157] : memref<10240x1x32xi32, #tpu.memory_space<hbm>> -> memref<1x1x32xi32, #tpu.memory_space<hbm>>
      %dma_start3A_1159 = tpu.memref_squeeze %dma_start3A_1158 : memref<1x1x32xi32, #tpu.memory_space<hbm>> -> memref<1x32xi32, #tpu.memory_space<hbm>>
      tpu.enqueue_dma source(%dma_start3A_1159 : memref<1x32xi32, #tpu.memory_space<hbm>>) target(%dma_start3A_1155 : memref<1x32xi32, #tpu.memory_space<vmem>>) target_semaphore(%arg22 : memref<!tpu.dma_semaphore, #tpu.memory_space<semaphore_mem>>)
    }
    %scan3A_381 = arith.constant 160 : i32
    %dma_wait3A_382 = arith.constant 2 : i32
    %dma_wait3A_383 = arith.constant 0 : i32
    %dma_wait3A_384 = tpu.memref_slice %arg7[%dma_wait3A_382, %dma_wait3A_383] : memref<4x32xi32, #tpu.memory_space<vmem>> -> memref<1x32xi32, #tpu.memory_space<vmem>>
    %dma_wait3A_385 = tpu.memref_squeeze %dma_wait3A_384 : memref<1x32xi32, #tpu.memory_space<vmem>> -> memref<32xi32, #tpu.memory_space<vmem>>
    %dma_wait3A_386 = arith.constant 0 : i32
    %dma_wait3A_387 = arith.constant 0 : i32
    %dma_wait3A_388 = tpu.memref_slice %arg11[%dma_wait3A_386, %dma_wait3A_387] : memref<10112x128xf32, #tpu.memory_space<vmem_shared>> -> memref<10112x128xf32, #tpu.memory_space<vmem_shared>>
    tpu.wait_indirect_dma semaphore(%arg13 : memref<!tpu.dma_semaphore, #tpu.memory_space<semaphore_mem>>) src(%dma_wait3A_388 : memref<10112x128xf32, #tpu.memory_space<vmem_shared>>) dst(%arg9 : memref<32x128xf32, #tpu.memory_space<vmem>>)
    %dma_wait3A_389 = arith.constant 3 : i32
    %dma_wait3A_390 = arith.constant 0 : i32
    %dma_wait3A_391 = tpu.memref_slice %arg7[%dma_wait3A_389, %dma_wait3A_390] : memref<4x32xi32, #tpu.memory_space<vmem>> -> memref<1x32xi32, #tpu.memory_space<vmem>>
    %dma_wait3A_392 = tpu.memref_squeeze %dma_wait3A_391 : memref<1x32xi32, #tpu.memory_space<vmem>> -> memref<32xi32, #tpu.memory_space<vmem>>
    %dma_wait3A_393 = arith.constant 0 : i32
    %dma_wait3A_394 = arith.constant 0 : i32
    %dma_wait3A_395 = tpu.memref_slice %arg11[%dma_wait3A_393, %dma_wait3A_394] : memref<10112x128xf32, #tpu.memory_space<vmem_shared>> -> memref<10112x128xf32, #tpu.memory_space<vmem_shared>>
    tpu.wait_indirect_dma semaphore(%arg14 : memref<!tpu.dma_semaphore, #tpu.memory_space<semaphore_mem>>) src(%dma_wait3A_395 : memref<10112x128xf32, #tpu.memory_space<vmem_shared>>) dst(%arg10 : memref<32x128xf32, #tpu.memory_space<vmem>>)
    %mul3A_396 = arith.constant 640 : i32
    %mul3A_397 = arith.muli %arg1, %mul3A_396 : i32
    %add3A_398 = arith.constant 639 : i32
    %add3A_399 = arith.addi %mul3A_397, %add3A_398 : i32
    %dma_wait3A_400 = arith.constant 2 : i32
    %dma_wait3A_401 = arith.constant 0 : i32
    %dma_wait3A_402 = tpu.memref_slice %arg7[%dma_wait3A_400, %dma_wait3A_401] : memref<4x32xi32, #tpu.memory_space<vmem>> -> memref<1x32xi32, #tpu.memory_space<vmem>>
    %dma_wait3A_403 = arith.constant 0 : i32
    %dma_wait3A_404 = arith.constant 0 : i32
    %dma_wait3A_405 = tpu.memref_slice %arg3[%add3A_399, %dma_wait3A_403, %dma_wait3A_404] : memref<10240x1x32xi32, #tpu.memory_space<hbm>> -> memref<1x1x32xi32, #tpu.memory_space<hbm>>
    %dma_wait3A_406 = tpu.memref_squeeze %dma_wait3A_405 : memref<1x1x32xi32, #tpu.memory_space<hbm>> -> memref<1x32xi32, #tpu.memory_space<hbm>>
    %dma_wait3A_407 = arith.constant 2 : i32
    %dma_wait3A_408 = arith.constant 0 : i32
    %dma_wait3A_409 = tpu.memref_slice %arg7[%dma_wait3A_407, %dma_wait3A_408] : memref<4x32xi32, #tpu.memory_space<vmem>> -> memref<1x32xi32, #tpu.memory_space<vmem>>
    %dma_wait3A_410 = arith.constant 0 : i32
    %dma_wait3A_411 = arith.constant 0 : i32
    %dma_wait3A_412 = tpu.memref_slice %arg3[%add3A_399, %dma_wait3A_410, %dma_wait3A_411] : memref<10240x1x32xi32, #tpu.memory_space<hbm>> -> memref<1x1x32xi32, #tpu.memory_space<hbm>>
    %dma_wait3A_413 = tpu.memref_squeeze %dma_wait3A_412 : memref<1x1x32xi32, #tpu.memory_space<hbm>> -> memref<1x32xi32, #tpu.memory_space<hbm>>
    tpu.wait_dma2 semaphore(%arg17 : memref<!tpu.dma_semaphore, #tpu.memory_space<semaphore_mem>>) src(%dma_wait3A_413 : memref<1x32xi32, #tpu.memory_space<hbm>>) dst(%dma_wait3A_409 : memref<1x32xi32, #tpu.memory_space<vmem>>)
    %add3A_414 = arith.constant 639 : i32
    %add3A_415 = arith.addi %mul3A_397, %add3A_414 : i32
    %dma_wait3A_416 = arith.constant 2 : i32
    %dma_wait3A_417 = arith.constant 0 : i32
    %dma_wait3A_418 = tpu.memref_slice %arg8[%dma_wait3A_416, %dma_wait3A_417] : memref<4x32xi32, #tpu.memory_space<vmem>> -> memref<1x32xi32, #tpu.memory_space<vmem>>
    %dma_wait3A_419 = arith.constant 0 : i32
    %dma_wait3A_420 = arith.constant 0 : i32
    %dma_wait3A_421 = tpu.memref_slice %arg4[%add3A_415, %dma_wait3A_419, %dma_wait3A_420] : memref<10240x1x32xi32, #tpu.memory_space<hbm>> -> memref<1x1x32xi32, #tpu.memory_space<hbm>>
    %dma_wait3A_422 = tpu.memref_squeeze %dma_wait3A_421 : memref<1x1x32xi32, #tpu.memory_space<hbm>> -> memref<1x32xi32, #tpu.memory_space<hbm>>
    %dma_wait3A_423 = arith.constant 2 : i32
    %dma_wait3A_424 = arith.constant 0 : i32
    %dma_wait3A_425 = tpu.memref_slice %arg8[%dma_wait3A_423, %dma_wait3A_424] : memref<4x32xi32, #tpu.memory_space<vmem>> -> memref<1x32xi32, #tpu.memory_space<vmem>>
    %dma_wait3A_426 = arith.constant 0 : i32
    %dma_wait3A_427 = arith.constant 0 : i32
    %dma_wait3A_428 = tpu.memref_slice %arg4[%add3A_415, %dma_wait3A_426, %dma_wait3A_427] : memref<10240x1x32xi32, #tpu.memory_space<hbm>> -> memref<1x1x32xi32, #tpu.memory_space<hbm>>
    %dma_wait3A_429 = tpu.memref_squeeze %dma_wait3A_428 : memref<1x1x32xi32, #tpu.memory_space<hbm>> -> memref<1x32xi32, #tpu.memory_space<hbm>>
    tpu.wait_dma2 semaphore(%arg21 : memref<!tpu.dma_semaphore, #tpu.memory_space<semaphore_mem>>) src(%dma_wait3A_429 : memref<1x32xi32, #tpu.memory_space<hbm>>) dst(%dma_wait3A_425 : memref<1x32xi32, #tpu.memory_space<vmem>>)
    %mul3A_430 = arith.constant 640 : i32
    %mul3A_431 = arith.muli %arg1, %mul3A_430 : i32
    %add3A_432 = arith.constant 639 : i32
    %add3A_433 = arith.addi %mul3A_431, %add3A_432 : i32
    %dma_wait3A_434 = arith.constant 3 : i32
    %dma_wait3A_435 = arith.constant 0 : i32
    %dma_wait3A_436 = tpu.memref_slice %arg7[%dma_wait3A_434, %dma_wait3A_435] : memref<4x32xi32, #tpu.memory_space<vmem>> -> memref<1x32xi32, #tpu.memory_space<vmem>>
    %dma_wait3A_437 = arith.constant 0 : i32
    %dma_wait3A_438 = arith.constant 0 : i32
    %dma_wait3A_439 = tpu.memref_slice %arg3[%add3A_433, %dma_wait3A_437, %dma_wait3A_438] : memref<10240x1x32xi32, #tpu.memory_space<hbm>> -> memref<1x1x32xi32, #tpu.memory_space<hbm>>
    %dma_wait3A_440 = tpu.memref_squeeze %dma_wait3A_439 : memref<1x1x32xi32, #tpu.memory_space<hbm>> -> memref<1x32xi32, #tpu.memory_space<hbm>>
    %dma_wait3A_441 = arith.constant 3 : i32
    %dma_wait3A_442 = arith.constant 0 : i32
    %dma_wait3A_443 = tpu.memref_slice %arg7[%dma_wait3A_441, %dma_wait3A_442] : memref<4x32xi32, #tpu.memory_space<vmem>> -> memref<1x32xi32, #tpu.memory_space<vmem>>
    %dma_wait3A_444 = arith.constant 0 : i32
    %dma_wait3A_445 = arith.constant 0 : i32
    %dma_wait3A_446 = tpu.memref_slice %arg3[%add3A_433, %dma_wait3A_444, %dma_wait3A_445] : memref<10240x1x32xi32, #tpu.memory_space<hbm>> -> memref<1x1x32xi32, #tpu.memory_space<hbm>>
    %dma_wait3A_447 = tpu.memref_squeeze %dma_wait3A_446 : memref<1x1x32xi32, #tpu.memory_space<hbm>> -> memref<1x32xi32, #tpu.memory_space<hbm>>
    tpu.wait_dma2 semaphore(%arg18 : memref<!tpu.dma_semaphore, #tpu.memory_space<semaphore_mem>>) src(%dma_wait3A_447 : memref<1x32xi32, #tpu.memory_space<hbm>>) dst(%dma_wait3A_443 : memref<1x32xi32, #tpu.memory_space<vmem>>)
    %add3A_448 = arith.constant 639 : i32
    %add3A_449 = arith.addi %mul3A_431, %add3A_448 : i32
    %dma_wait3A_450 = arith.constant 3 : i32
    %dma_wait3A_451 = arith.constant 0 : i32
    %dma_wait3A_452 = tpu.memref_slice %arg8[%dma_wait3A_450, %dma_wait3A_451] : memref<4x32xi32, #tpu.memory_space<vmem>> -> memref<1x32xi32, #tpu.memory_space<vmem>>
    %dma_wait3A_453 = arith.constant 0 : i32
    %dma_wait3A_454 = arith.constant 0 : i32
    %dma_wait3A_455 = tpu.memref_slice %arg4[%add3A_449, %dma_wait3A_453, %dma_wait3A_454] : memref<10240x1x32xi32, #tpu.memory_space<hbm>> -> memref<1x1x32xi32, #tpu.memory_space<hbm>>
    %dma_wait3A_456 = tpu.memref_squeeze %dma_wait3A_455 : memref<1x1x32xi32, #tpu.memory_space<hbm>> -> memref<1x32xi32, #tpu.memory_space<hbm>>
    %dma_wait3A_457 = arith.constant 3 : i32
    %dma_wait3A_458 = arith.constant 0 : i32
    %dma_wait3A_459 = tpu.memref_slice %arg8[%dma_wait3A_457, %dma_wait3A_458] : memref<4x32xi32, #tpu.memory_space<vmem>> -> memref<1x32xi32, #tpu.memory_space<vmem>>
    %dma_wait3A_460 = arith.constant 0 : i32
    %dma_wait3A_461 = arith.constant 0 : i32
    %dma_wait3A_462 = tpu.memref_slice %arg4[%add3A_449, %dma_wait3A_460, %dma_wait3A_461] : memref<10240x1x32xi32, #tpu.memory_space<hbm>> -> memref<1x1x32xi32, #tpu.memory_space<hbm>>
    %dma_wait3A_463 = tpu.memref_squeeze %dma_wait3A_462 : memref<1x1x32xi32, #tpu.memory_space<hbm>> -> memref<1x32xi32, #tpu.memory_space<hbm>>
    tpu.wait_dma2 semaphore(%arg22 : memref<!tpu.dma_semaphore, #tpu.memory_space<semaphore_mem>>) src(%dma_wait3A_463 : memref<1x32xi32, #tpu.memory_space<hbm>>) dst(%dma_wait3A_459 : memref<1x32xi32, #tpu.memory_space<vmem>>)
    %barrier3A_464 = arith.constant 0 : index
    tpu.barrier barrier_id(%barrier3A_464)
    %mul3A_465 = arith.constant 320 : i32
    %mul3A_466 = arith.muli %arg1, %mul3A_465 : i32
    %mul3A_467 = arith.constant 320 : i32
    %mul3A_468 = arith.muli %arg1, %mul3A_467 : i32
    "tpu.region"() ({
      %run_scoped3A = tpu.sem_alloc : memref<!tpu.dma_semaphore, #tpu.memory_space<semaphore_mem>>
      %dma_start3A_469 = arith.constant 0 : i32
      %dma_start3A_470 = tpu.memref_slice %arg6[%arg0, %mul3A_468, %dma_start3A_469] : memref<2x5120x128xf32, #tpu.memory_space<hbm>> -> memref<1x320x128xf32, #tpu.memory_space<hbm>>
      %dma_start3A_471 = tpu.memref_squeeze %dma_start3A_470 : memref<1x320x128xf32, #tpu.memory_space<hbm>> -> memref<320x128xf32, #tpu.memory_space<hbm>>
      %dma_start3A_472 = arith.constant 0 : i32
      %dma_start3A_473 = tpu.memref_slice %arg12[%mul3A_466, %dma_start3A_472] : memref<5120x128xf32, #tpu.memory_space<vmem_shared>> -> memref<320x128xf32, #tpu.memory_space<vmem_shared>>
      tpu.enqueue_dma source(%dma_start3A_473 : memref<320x128xf32, #tpu.memory_space<vmem_shared>>) target(%dma_start3A_471 : memref<320x128xf32, #tpu.memory_space<hbm>>) target_semaphore(%run_scoped3A : memref<!tpu.dma_semaphore, #tpu.memory_space<semaphore_mem>>)
      %dma_wait3A_474 = arith.constant 0 : i32
      %dma_wait3A_475 = tpu.memref_slice %arg6[%arg0, %mul3A_468, %dma_wait3A_474] : memref<2x5120x128xf32, #tpu.memory_space<hbm>> -> memref<1x320x128xf32, #tpu.memory_space<hbm>>
      %dma_wait3A_476 = tpu.memref_squeeze %dma_wait3A_475 : memref<1x320x128xf32, #tpu.memory_space<hbm>> -> memref<320x128xf32, #tpu.memory_space<hbm>>
      %dma_wait3A_477 = arith.constant 0 : i32
      %dma_wait3A_478 = tpu.memref_slice %arg12[%mul3A_466, %dma_wait3A_477] : memref<5120x128xf32, #tpu.memory_space<vmem_shared>> -> memref<320x128xf32, #tpu.memory_space<vmem_shared>>
      tpu.wait_dma2 semaphore(%run_scoped3A : memref<!tpu.dma_semaphore, #tpu.memory_space<semaphore_mem>>) src(%dma_wait3A_478 : memref<320x128xf32, #tpu.memory_space<vmem_shared>>) dst(%dma_wait3A_476 : memref<320x128xf32, #tpu.memory_space<hbm>>)
      tpu.yield
    }) : () -> ()
    return
  }
}

module attributes {stable_mosaic.version = 14 : i64} {
  func.func @_finish_body(%arg0: i32, %arg1: memref<1x1000x128xf32, #tpu.memory_space<vmem>>, %arg2: memref<1000x1xf32, #tpu.memory_space<vmem>>, %arg3: memref<1x128xf32, #tpu.memory_space<vmem>>, %arg4: memref<1000x128xf32, #tpu.memory_space<vmem>>) attributes {dimension_semantics = [#tpu.dimension_semantics<arbitrary>], iteration_bounds = array<i64: 10>, scalar_prefetch = 0 : i64, scratch_operands = 0 : i64, tpu.core_type = #tpu.core_type<tc>, window_params = [{transform_indices = @transform_0, window_bounds = array<i64: 1, 1000, 128>}, {transform_indices = @transform_1, window_bounds = array<i64: 1000, 1>}, {pipeline_mode = #tpu.pipeline_mode<synchronous>, transform_indices = @transform_2, window_bounds = array<i64: 1, 128>}, {transform_indices = @transform_3, window_bounds = array<i64: 1000, 128>}]} {
    %get3A = arith.constant 0 : index
    %get3A_0 = arith.constant 0 : index
    %get3A_1 = arith.constant 0 : index
    %get3A_2 = vector.load %arg1[%get3A, %get3A_0, %get3A_1] : memref<1x1000x128xf32, #tpu.memory_space<vmem>>, vector<1x1000x128xf32>
    %get3A_3 = vector.shape_cast %get3A_2 : vector<1x1000x128xf32> to vector<1000x128xf32>
    %get3A_4 = arith.constant 0 : index
    %get3A_5 = arith.constant 0 : index
    %get3A_6 = vector.load %arg2[%get3A_4, %get3A_5] : memref<1000x1xf32, #tpu.memory_space<vmem>>, vector<1000x1xf32>
    %mul3A = vector.broadcast %get3A_6 : vector<1000x1xf32> to vector<1000x128xf32>
    %mul3A_7 = arith.mulf %get3A_3, %mul3A : vector<1000x128xf32>
    %get3A_8 = arith.constant 0 : index
    %get3A_9 = arith.constant 0 : index
    %get3A_10 = vector.load %arg3[%get3A_8, %get3A_9] : memref<1x128xf32, #tpu.memory_space<vmem>>, vector<1x128xf32>
    %add3A = vector.broadcast %get3A_10 : vector<1x128xf32> to vector<1000x128xf32>
    %add3A_11 = arith.addf %mul3A_7, %add3A : vector<1000x128xf32>
    %swap3A = arith.constant 0 : index
    %swap3A_12 = arith.constant 0 : index
    %swap3A_13 = vector.load %arg4[%swap3A, %swap3A_12] : memref<1000x128xf32, #tpu.memory_space<vmem>>, vector<1000x128xf32>
    tpu.vector_store %arg4[%swap3A, %swap3A_12], %add3A_11 {strides = array<i32>} : memref<1000x128xf32, #tpu.memory_space<vmem>>, vector<1000x128xf32>,
    return
  }
  func.func @transform_0(%arg0: i32) -> (i32, i32, i32) {
    %jit3A = arith.constant 5 : i32
    %div3A = arith.divsi %arg0, %jit3A : i32
    %sign3A = arith.constant 0 : i32
    %sign3A_0 = arith.cmpi sgt, %arg0, %sign3A : i32
    %sign3A_1 = arith.extui %sign3A_0 : i1 to i32
    %sign3A_2 = arith.constant 0 : i32
    %sign3A_3 = arith.cmpi slt, %arg0, %sign3A_2 : i32
    %sign3A_4 = arith.extui %sign3A_3 : i1 to i32
    %sign3A_5 = arith.subi %sign3A_1, %sign3A_4 : i32
    %sign3A_6 = arith.constant 0 : i32
    %sign3A_7 = arith.cmpi sgt, %jit3A, %sign3A_6 : i32
    %sign3A_8 = arith.extui %sign3A_7 : i1 to i32
    %sign3A_9 = arith.constant 0 : i32
    %sign3A_10 = arith.cmpi slt, %jit3A, %sign3A_9 : i32
    %sign3A_11 = arith.extui %sign3A_10 : i1 to i32
    %sign3A_12 = arith.subi %sign3A_8, %sign3A_11 : i32
    %ne3A = arith.cmpi ne, %sign3A_5, %sign3A_12 : i32
    %rem3A = arith.remsi %arg0, %jit3A : i32
    %ne3A_13 = arith.constant 0 : i32
    %ne3A_14 = arith.cmpi ne, %rem3A, %ne3A_13 : i32
    %and3A = arith.andi %ne3A, %ne3A_14 : i1
    %sub3A = arith.constant 1 : i32
    %sub3A_15 = arith.subi %div3A, %sub3A : i32
    %select_n3A = arith.select %and3A, %sub3A_15, %div3A : i32
    %jit3A_16 = arith.constant 5 : i32
    %eq3A = arith.constant 0 : i32
    %eq3A_17 = arith.cmpi eq, %jit3A_16, %eq3A : i32
    %jit3A_18 = arith.constant 1 : i32
    %select_n3A_19 = arith.select %eq3A_17, %jit3A_18, %jit3A_16 : i32
    %rem3A_20 = arith.remsi %arg0, %select_n3A_19 : i32
    %ne3A_21 = arith.constant 0 : i32
    %ne3A_22 = arith.cmpi ne, %rem3A_20, %ne3A_21 : i32
    %lt3A = arith.constant 0 : i32
    %lt3A_23 = arith.cmpi slt, %rem3A_20, %lt3A : i32
    %lt3A_24 = arith.constant 0 : i32
    %lt3A_25 = arith.cmpi slt, %select_n3A_19, %lt3A_24 : i32
    %ne3A_26 = arith.xori %lt3A_23, %lt3A_25 : i1
    %and3A_27 = arith.andi %ne3A_26, %ne3A_22 : i1
    %add3A = arith.addi %rem3A_20, %select_n3A_19 : i32
    %select_n3A_28 = arith.select %and3A_27, %add3A, %rem3A_20 : i32
    %c0_i32 = arith.constant 0 : i32
    %c0_i32_29 = arith.constant 0 : i32
    return %select_n3A, %select_n3A_28, %c0_i32 : i32, i32, i32
  }
  func.func @transform_1(%arg0: i32) -> (i32, i32) {
    %c0_i32 = arith.constant 0 : i32
    %c0_i32_0 = arith.constant 0 : i32
    return %arg0, %c0_i32 : i32, i32
  }
  func.func @transform_2(%arg0: i32) -> (i32, i32) {
    %c0_i32 = arith.constant 0 : i32
    %c0_i32_0 = arith.constant 0 : i32
    %c0_i32_1 = arith.constant 0 : i32
    return %c0_i32, %c0_i32_0 : i32, i32
  }
  func.func @transform_3(%arg0: i32) -> (i32, i32) {
    %c0_i32 = arith.constant 0 : i32
    %c0_i32_0 = arith.constant 0 : i32
    return %arg0, %c0_i32 : i32, i32
  }
}

module attributes {stable_mosaic.version = 14 : i64} {
  func.func @_matmul_body(%arg0: i32, %arg1: memref<2000x128xf32, #tpu.memory_space<vmem>>, %arg2: memref<128x128xf32, #tpu.memory_space<vmem>>, %arg3: memref<2000x1xf32, #tpu.memory_space<vmem>>, %arg4: memref<2000x128xf32, #tpu.memory_space<vmem>>) attributes {dimension_semantics = [#tpu.dimension_semantics<arbitrary>], iteration_bounds = array<i64: 5>, scalar_prefetch = 0 : i64, scratch_operands = 0 : i64, tpu.core_type = #tpu.core_type<tc>, window_params = [{transform_indices = @transform_0, window_bounds = array<i64: 2000, 128>}, {pipeline_mode = #tpu.pipeline_mode<synchronous>, transform_indices = @transform_1, window_bounds = array<i64: 128, 128>}, {transform_indices = @transform_2, window_bounds = array<i64: 2000, 1>}, {transform_indices = @transform_3, window_bounds = array<i64: 2000, 128>}]} {
    %get3A = arith.constant 0 : index
    %get3A_0 = arith.constant 0 : index
    %get3A_1 = vector.load %arg1[%get3A, %get3A_0] : memref<2000x128xf32, #tpu.memory_space<vmem>>, vector<2000x128xf32>
    %get3A_2 = arith.constant 0 : index
    %get3A_3 = arith.constant 0 : index
    %get3A_4 = vector.load %arg2[%get3A_2, %get3A_3] : memref<128x128xf32, #tpu.memory_space<vmem>>, vector<128x128xf32>
    %dot_general3A = arith.constant dense<0.000000e+00> : vector<2000x128xf32>
    %dot_general3A_5 = tpu.matmul %get3A_1, %get3A_4, %dot_general3A {dimension_numbers = #tpu.dot_dimension_numbers<[1], [0], [0], [1], [0, 0, 1, 1], [], []>, transpose_lhs_hint = false} : vector<2000x128xf32>, vector<128x128xf32>, vector<2000x128xf32> -> vector<2000x128xf32>
    %get3A_6 = arith.constant 0 : index
    %get3A_7 = arith.constant 0 : index
    %get3A_8 = vector.load %arg3[%get3A_6, %get3A_7] : memref<2000x1xf32, #tpu.memory_space<vmem>>, vector<2000x1xf32>
    %mul3A = vector.broadcast %get3A_8 : vector<2000x1xf32> to vector<2000x128xf32>
    %mul3A_9 = arith.mulf %dot_general3A_5, %mul3A : vector<2000x128xf32>
    %swap3A = arith.constant 0 : index
    %swap3A_10 = arith.constant 0 : index
    %swap3A_11 = vector.load %arg4[%swap3A, %swap3A_10] : memref<2000x128xf32, #tpu.memory_space<vmem>>, vector<2000x128xf32>
    tpu.vector_store %arg4[%swap3A, %swap3A_10], %mul3A_9 {strides = array<i32>} : memref<2000x128xf32, #tpu.memory_space<vmem>>, vector<2000x128xf32>,
    return
  }
  func.func @transform_0(%arg0: i32) -> (i32, i32) {
    %c0_i32 = arith.constant 0 : i32
    %c0_i32_0 = arith.constant 0 : i32
    return %arg0, %c0_i32 : i32, i32
  }
  func.func @transform_1(%arg0: i32) -> (i32, i32) {
    %c0_i32 = arith.constant 0 : i32
    %c0_i32_0 = arith.constant 0 : i32
    %c0_i32_1 = arith.constant 0 : i32
    return %c0_i32, %c0_i32_0 : i32, i32
  }
  func.func @transform_2(%arg0: i32) -> (i32, i32) {
    %c0_i32 = arith.constant 0 : i32
    %c0_i32_0 = arith.constant 0 : i32
    return %arg0, %c0_i32 : i32, i32
  }
  func.func @transform_3(%arg0: i32) -> (i32, i32) {
    %c0_i32 = arith.constant 0 : i32
    %c0_i32_0 = arith.constant 0 : i32
    return %arg0, %c0_i32 : i32, i32
  }
}

</mosaic_0001>

<sc_bundles>
// kernel: kernel.5.cloned.1.call-start
scs
__scs_entry_jumppad:
0x0: {  	(pc) =	sbr.rel $0x88, $3  }
0x1: {  	(tag) =	ssettag $0x0;
	lr =	simm.s32 $0x1  }
0x2: {  	[smem:$0x3F9C] =	sst lr;
	_ =	strace $0xD0000000  }
0x3: {  	_ = 	snop  }
0x4: {  	_ = 	snop  }
0x5: {  	_ = 	snop  }
0x6: {  	_ = 	snop  }
0x7: {  	_ = 	snop  }
__scs_overlays_trampoline_lowered:
0x8: {  	[smem:$0x3FAB] =	sst s0  }
0x9: {  	[smem:$0x3FAC] =	sst s1  }
0xa: {  	[smem:$0x3FAD] =	sst s2  }
0xb: {  	[smem:$0x3FAE] =	sst s3  }
0xc: {  	[smem:$0x3FAF] =	sst s4  }
0xd: {  	[smem:$0x3FB0] =	sst s5  }
0xe: {  	[smem:$0x3FB1] =	sst s6  }
0xf: {  	[smem:$0x3FB2] =	sst s7  }
0x10: {  	[smem:$0x3FB3] =	sst s8  }
0x11: {  	[smem:$0x3FB4] =	sst s9;
	s0 =	simm.s32 @!p0 $0x0  }
0x12: {  	s1 =	sld [smem:$0x3F9A];
	s0 =	simm.s32 @p0 $0x1  }
0x13: {  	[smem:$0x3FB5] =	sst s0;
	s0 =	simm.s32 @!p1 $0x0  }
0x14: {  	s2 =	sld [smem:$0x3F99];
	s0 =	simm.s32 @p1 $0x1  }
0x15: {  	[smem:$0x3FB6] =	sst s0;
	s0 =	simm.s32 @!p2 $0x0  }
0x16: {  	s3 =	sld [smem:$0x3FDB];
	s0 =	simm.s32 @p2 $0x1  }
0x17: {  	s4 =	simm.s32 $0x1BF5;
	[smem:$0x3FB8] =	sst s0  }
0x18: {  	s0 =	sld [smem:$0x3F9B];
	_ =	swait.ge [sflag:s4], $0x0  }
0x19: {  	s7 =	sld [smem:$0x3F9C]  }
0x1a: {  	s8 =	sadd.s32 $0xFFFFE003, lr  }
0x1b: {  	s9 =	sadd.s32 $0xFFFFFEF7, lr;
	s5 =	simm.s32 $0xFFFFFFFF;
	p2 =	slt.u32 s8, $0xFFFFF086  }
0x1c: {  	p1 =	slt.u32 s9, $0xF7A;
	s5 =	simm.s32 @!p2 $0x0  }
0x1d: {  	s5 =	simm.s32 @p1 $0x1;
	p0 =	seq.s32 s7, s2  }
0x1e: {  	s7 =	smul.u32 @!p0 $0xF7A, s2;
	p2 =	seq.s32 @!p0 s5, $0x0  }
0x1f: {  	s9 =	smul.u32 $0xF7A, s1;
	s8 =	simm.s32 @!p0 $0x1BF5;
	p2 =	por !p2, p0  }
0x20: {  	[sflag:s8] =	ssyncset.s32 @!p0 $0xFFFFF086;
	s6 =	sadd.s32 @!p0 s3, s7;
	s7 =	simm.s32 @!p0 $0x108  }
0x21: {  	s3 =	sadd.s32 s3, s9;
	s6 =	sadd.s32 @!p0 $0x88, s6;
	s7 =	simm.s32 @p2 $0x1082  }
0x22: {  	[simem:s7], [sflag:s8] =	dma.local @!p0 [hbm:s6], $0xF7A  }
0x23: {  	s9 =	sor.u32 $0xD0000000, s2;
	s6 =	simm.s32 $0x108;
	_ =	swait.ge @!p0 [sflag:s8], $0x0  }
0x24: {  	s3 =	sadd.s32 $0x88, s3;
	s6 =	simm.s32 @!p1 $0x1082;
	[sflag:s4] =	ssyncset.s32 $0xFFFFF086  }
0x25: {  	[simem:s6], [sflag:s4] =	dma.local [hbm:s3], $0xF7A  }
0x26: {  	[smem:$0x3F9C] =	sst s1;
	(tag) =	ssettag s2;
	_ =	strace s9  }
0x27: {  	s1 =	sld [smem:$0x3FAC]  }
0x28: {  	s2 =	sld [smem:$0x3FAD]  }
0x29: {  	s4 =	sld [smem:$0x3FAF]  }
0x2a: {  	p0 =	seq.s32 s5, $0x0;
	s5 =	sld [smem:$0x3FB0]  }
0x2b: {  	s6 =	sld [smem:$0x3FB1]  }
0x2c: {  	s7 =	sld [smem:$0x3FB2]  }
0x2d: {  	s3 =	simm.s32 $0x108;
	s8 =	sld [smem:$0x3FB3]  }
0x2e: {  	s3 =	simm.s32 @!p0 $0x1082;
	s9 =	sld [smem:$0x3FB4]  }
0x2f: {  	lr =	sadd.s32 s0, s3;
	s0 =	sld [smem:$0x3FAB]  }
0x30: {  	s3 =	sld [smem:$0x3FAE]  }
0x31: {  	[smem:$0x3FB7] =	sst s10  }
0x32: {  	s10 =	sld [smem:$0x3FB5];
	_ =	sdelay $0x3  }
0x33: {  	p0 =	seq.s32 s10, $0x1;
	s10 =	sld [smem:$0x3FB7];
	_ =	sdelay $0x3  }
0x34: {  	[smem:$0x3FB7] =	sst s10  }
0x35: {  	s10 =	sld [smem:$0x3FB6];
	_ =	sdelay $0x3  }
0x36: {  	p1 =	seq.s32 s10, $0x1;
	s10 =	sld [smem:$0x3FB7];
	_ =	sdelay $0x3  }
0x37: {  	[smem:$0x3FB7] =	sst s10  }
0x38: {  	s10 =	sld [smem:$0x3FB8]  }
0x39: {  	_ = 	snop;
	(pc) =	sbr.ind lr, $3  }
0x3a: {  	_ = 	snop  }
0x3b: {  	_ = 	snop  }
0x3c: {  	p2 =	seq.s32 s10, $0x1;
	s10 =	sld [smem:$0x3FB7]  }
0x3d: {  	_ =	shalt  }
0x3e: {  	_ =	shalt  }
0x3f: {  	_ =	shalt  }
0x40: {  	_ =	shalt  }
0x41: {  	_ =	shalt  }
0x42: {  	_ =	shalt  }
0x43: {  	_ =	shalt  }
0x44: {  	_ =	shalt  }
0x45: {  	_ =	shalt  }
0x46: {  	_ =	shalt  }
0x47: {  	_ =	shalt  }
0x48: {  	_ =	shalt  }
0x49: {  	_ =	shalt  }
0x4a: {  	_ =	shalt  }
0x4b: {  	_ =	shalt  }
0x4c: {  	_ =	shalt  }
0x4d: {  	_ =	shalt  }
0x4e: {  	_ =	shalt  }
0x4f: {  	_ =	shalt  }
0x50: {  	_ =	shalt  }
0x51: {  	_ =	shalt  }
0x52: {  	_ =	shalt  }
0x53: {  	_ =	shalt  }
0x54: {  	_ =	shalt  }
0x55: {  	_ =	shalt  }
0x56: {  	_ =	shalt  }
0x57: {  	_ =	shalt  }
0x58: {  	_ =	shalt  }
0x59: {  	_ =	shalt  }
0x5a: {  	_ =	shalt  }
0x5b: {  	_ =	shalt  }
0x5c: {  	_ =	shalt  }
0x5d: {  	_ =	shalt  }
0x5e: {  	_ =	shalt  }
0x5f: {  	_ =	shalt  }
0x60: {  	_ =	shalt  }
0x61: {  	_ =	shalt  }
0x62: {  	_ =	shalt  }
0x63: {  	_ =	shalt  }
0x64: {  	_ =	shalt  }
0x65: {  	_ =	shalt  }
0x66: {  	_ =	shalt  }
0x67: {  	_ =	shalt  }
0x68: {  	_ =	shalt  }
0x69: {  	_ =	shalt  }
0x6a: {  	_ =	shalt  }
0x6b: {  	_ =	shalt  }
0x6c: {  	_ =	shalt  }
0x6d: {  	_ =	shalt  }
0x6e: {  	_ =	shalt  }
0x6f: {  	_ =	shalt  }
0x70: {  	_ =	shalt  }
0x71: {  	_ =	shalt  }
0x72: {  	_ =	shalt  }
0x73: {  	_ =	shalt  }
0x74: {  	_ =	shalt  }
0x75: {  	_ =	shalt  }
0x76: {  	_ =	shalt  }
0x77: {  	_ =	shalt  }
0x78: {  	_ =	shalt  }
0x79: {  	_ =	shalt  }
0x7a: {  	_ =	shalt  }
0x7b: {  	_ =	shalt  }
0x7c: {  	_ =	shalt  }
0x7d: {  	_ =	shalt  }
0x7e: {  	_ =	shalt  }
0x7f: {  	_ =	shalt  }
0x80: {  	_ =	shalt  }
0x81: {  	_ =	shalt  }
0x82: {  	_ =	shalt  }
0x83: {  	_ =	shalt  }
0x84: {  	_ =	shalt  }
0x85: {  	_ =	shalt  }
0x86: {  	_ =	shalt  }
0x87: {  	_ =	shalt  }
.Lfunc_end0:
.L_simem_size_0:
called_computation_lowered:
.L_overlay_start_0:
0x88: {  	s2 =	sld [smem:$0x3FD9]  }
0x89: {  	s3 =	sld [smem:$0x3FFE];
	_ =	sdelay $0x1  }
0x8a: {  	s1 =	srdreg.scid  }
0x8b: {  	s0 =	sand.u32 $0x1, s1  }
0x8c: {  	s17 =	sshll.u32 s0, $0xA;
	s2 =	sadd.s32 s3, s2  }
0x8d: {  	s2 =	sadd.s32 s2, s17  }
0x8e: {  	[smem:$0x3FC3] =	sst s2  }
0x8f: {  	_ = 	snop  }
0x90: {  	s2 =	sld [smem:$0x3FD0];
	(tm) =	ssettm $0x1  }
0x91: {  	s18 =	sld [smem:$0x3FFB];
	_ =	sdelay $0x3  }
0x92: {  	_ =	strace s18  }
0x93: {  	s3 =	sld [smem:$0x3FFC];
	_ =	sdelay $0x3  }
0x94: {  	_ =	strace s3  }
0x95: {  	s3 =	sld [smem:$0x3FFD];
	_ =	sdelay $0x3  }
0x96: {  	_ =	strace s3  }
0x97: {  	_ =	strace $0x8FFFFFFF  }
0x98: {  	s19 =	sld [smem:$0x3FDB];
	_ =	sdelay $0x1  }
0x99: {  	s4 =	simm.s32 $_scs_section_size  }
0x9a: {  	s5 =	simm.s32 $_size__tile_overlayer_lowered;
	s6 =	simm.s32 $_tile_overlayer_lowered  }
0x9b: {  	s22 =	simm.s32 $0x1BFF;
	s21 =	sshll.u32 s6, $0x1;
	s3 =	sadd.s32 s4, s19  }
0x9c: {  	s7 =	simm.s32 $0x0;
	s20 =	sshll.u32 s5, $0x1;
	s5 =	sadd.s32 s21, s3  }
0x9d: {  	[timem:s7], [sflag:s22] =	dma.local [hbm:s5], s20  }
0x9e: {  	_ =	swait.ge [sflag:s22], s20  }
0x9f: {  	s4 =	ssub.s32 $0x0, s20;
	[sflag:s22] =	ssyncset.done $0x0  }
0xa0: {  	[sflag:s22] =	ssyncadd.s32 s4;
	_ =	sdelay $0x1  }
0xa1: {  	s23 =	simm.s32 $0x1B8B  }
0xa2: {  	_ =	swait.ge [sflag:s23], $0x1  }
0xa3: {  	[sflag:s23] =	ssyncset.done $0x0  }
0xa4: {  	s25 =	simm.s32 $0x1B8E;
	s24 =	sld [smem:$0x3FFE];
	[sflag:s23] =	ssyncadd.s32 $0xFFFFFFFF  }
0xa5: {  	s26 =	simm.s32 $execute0_lowered;
	[smem:$0x3FD2] =	sst s25  }
0xa6: {  	s5 =	sshll.u32 s26, $0x1;
	_ =	strace $0x80000046;
	[dreg:$0x1] =	wrdreg $0xFFFFFFFF  }
0xa7: {  	s28 =	simm.s32 $_size_execute0_lowered;
	s3 =	sadd.s32 s3, s5;
	[dreg:$0x0] =	wrdreg $0x0  }
0xa8: {  	s5 =	sshll.u32 s28, $0x1;
	[dreg:$0x2] =	wrdreg s3  }
0xa9: {  	[dreg:$0x3] =	wrdreg s5  }
0xaa: {  	[dreg:$0x4] =	wrdreg $0xC0  }
0xab: {  	_ =	task [dreg:s7], $0x5FFFF  }
0xac: {  	[dreg:$0x1] =	wrdreg $0xFFFFFFFF  }
0xad: {  	[dreg:$0x0] =	wrdreg $0x60  }
0xae: {  	[dreg:$0x2] =	wrdreg s2  }
0xaf: {  	[dreg:$0x3] =	wrdreg s24  }
0xb0: {  	[dreg:$0x4] =	wrdreg $0x24000  }
0xb1: {  	[dreg:$0x5] =	wrdreg $0x160000  }
0xb2: {  	[dreg:$0x6] =	wrdreg $0x9  }
0xb3: {  	_ =	task.clear_ibuf [dreg:s7], $0x7FFFF;
	_ =	strace $0x90000046  }
0xb4: {  	s29 =	simm.s32 $0x9;
	_ =	strace $0x80000048  }
0xb5: {  	_ =	swait.ge [sflag:s29], $0x1  }
0xb6: {  	[sflag:s29] =	ssyncadd.s32 $0xFFFFFFFF  }
0xb7: {  	_ =	strace $0x90000048  }
0xb8: {  	_ =	sfence  }
0xb9: {  	s30 =	sld [smem:$0x0];
	_ =	sdelay $0x2  }
0xba: {  	s31 =	sshll.u32 s1, $0xD;
	s1 =	sshrl.u32 s1, $0x2  }
0xbb: {  	s3 =	sand.u32 $0x4000, s31;
	s1 =	sadd.s32 s1, s30  }
0xbc: {  	s0 =	sor.u32 s3, s0;
	s1 =	sshll.u32 s1, $0x11  }
0xbd: {  	s0 =	sor.u32 s1, s0  }
0xbe: {  	s0 =	sadd.s32 $0x8F2B, s0  }
0xbf: {  	[sflag:s0] =	ssyncadd.remote.s32 $0x1  }
0xc0: {  	_ =	sfence.sel $0xFFFF  }
0xc1: {  	[dreg:$0x0] =	wrdreg $0xFFFFFFFF;
	(pc) =	sbr.abs _section_cstart, $3  }
0xc2: {  	[dreg:$0x1] =	wrdreg $0xFFFFFFFF  }
0xc3: {  	_ =	task.clear_ibuf [dreg:s7], $0x2FFFF;
	_ =	strace $0x9FFFFFFF  }
0xc4: {  	(tm) =	ssettm $0x7FFFFFFF  }
0xc5: {  	_ =	shalt  }
tec
execute0_lowered:
.L_overlay_start_1:
0x0: {  	(tag) =	ssettag $0x1  }
0x1: {  	s0 =	rddreg [dreg:$0x0]  }
0x2: {  	s3 =	rddreg [dreg:$0x1]  }
0x3: {  	s1 =	rddreg [dreg:$0x2];
	s16 =	stileid.u32  }
0x4: {  	s2 =	rddreg [dreg:$0x3];
	s9 =	smul.u32 $0xA000, s16  }
0x5: {  	s4 =	srdreg.scid;
	s28 =	simm.s32 $0x200;
	s18 =	smul.u32 $0x4F000, s16  }
0x6: {  	s29 =	simm.s32 $0x80;
	s30 =	simm.s32 $0x280;
	s11 =	smul.u32 $0x2780, s16  }
0x7: {  	s31 =	simm.s32 $0x100;
	s7 =	sand.u32 $0x1, s4;
	s13 =	smul.u32 $0x28000, s16  }
0x8: {  	s4 =	simm.s32 $0x0;
	s5 =	sadd.s32 $0xE00, s3;
	s22 =	smul.u32 $0x280, s16  }
0x9: {  	s6 =	sadd.s32 $0x28E00, s3;
	s10 =	sadd.s32 $0x50E00, s3;
	s23 =	smul.u32 $0x2800, s16  }
0xa: {  	p0 =	seq.s32 s16, $0xF;
	s16 =	simm.s32 $0x8;
	s8 =	smul.u32 $0xA0000, s7  }
0xb: {  	[smem:$0x7FF] =	sst s4;
	s19 =	ssub.s32 $0x2, s7;
	s7 =	smul.u32 $0x1388, s7  }
0xc: {  	_ =	strace $0x80000047;
	[dreg:$0x9] =	wrdreg s10;
	s12 =	sshrl.u32 s19, $0x1  }
0xd: {  	s20 =	sadd.s32 s0, s11;
	s21 =	sshrl.u32 s13, $0x2;
	s0 =	sadd.s32 $0x25080, s0  }
0xe: {  	s14 =	sadd.s32 s5, s23;
	s24 =	sadd.s32 s6, s23;
	[dreg:$0xa] =	wrdreg s20  }
0xf: {  	s25 =	sor.u32 $0x4, s22;
	s15 =	sor.u32 $0x10, s23;
	[dreg:$0xc] =	wrdreg s0  }
0x10: {  	s26 =	sor.u32 $0x5, s22;
	s10 =	sor.u32 $0x30, s23;
	[dreg:$0xd] =	wrdreg s14  }
0x11: {  	s11 =	sor.u32 $0x7, s22;
	s8 =	sadd.s32 s9, s8;
	[dreg:$0xe] =	wrdreg s24  }
0x12: {  	s9 =	sshrl.u32 s18, $0x2;
	s17 =	sadd.s32 s21, s2;
	[dreg:$0x5] =	wrdreg s25  }
0x13: {  	s0 =	sadd.s32 $0x138800, s1;
	s18 =	sadd.s32 s5, s15;
	[dreg:$0x6] =	wrdreg s26  }
0x14: {  	s15 =	sadd.s32 s6, s15;
	s20 =	sor.u32 $0x20, s23;
	[dreg:$0x8] =	wrdreg s11  }
0x15: {  	s23 =	sadd.s32 s5, s10;
	s10 =	sadd.s32 s6, s10;
	[dreg:$0xf] =	wrdreg s18  }
0x16: {  	s11 =	simm.s32 $0x3;
	s14 =	simm.s32 $0x400;
	[dreg:$0x10] =	wrdreg s15  }
0x17: {  	v0 =	vmov s7;
	s7 =	simm.s32 $0x0;
	s8 =	sshrl.u32 s8, $0x3;
	[dreg:$0x13] =	wrdreg s23  }
0x18: {  	s9 =	sadd.s32 s9, s1;
	s13 =	sadd.s32 $0x4000, s17;
	[dreg:$0x14] =	wrdreg s10  }
0x19: {  	s21 =	sadd.s32 s5, s20;
	s0 =	sshrl.u32 @p0 s0, $0x3;
	[dreg:$0xb] =	wrdreg s17  }
0x1a: {  	s25 =	sadd.s32 $0x8000, s17;
	s10 =	simm.s32 $0x380;
	s15 =	simm.s32 $0x4  }
0x1b: {  	s17 =	simm.s32 $0x1400;
	s18 =	simm.s32 $0x1;
	s23 =	simm.s32 $0xA  }
0x1c: {  	s3 =	sadd.s32 s8, s3;
	s8 =	ssub.s32 s19, s12;
	[dreg:$0x11] =	wrdreg s21  }
0x1d: {  	s12 =	sadd.s32 $0x128400, s1;
	s19 =	sor.u32 $0x6, s22;
	[dreg:$0x18] =	wrdreg s0  }
0x1e: {  	s22 =	sadd.s32 s6, s20;
	s0 =	sshrl.u32 @!p0 s9, $0x3;
	[dreg:$0x7] =	wrdreg s19  }
0x1f: {  	s26 =	sshrl.u32 s13, $0x3;
	s13 =	simm.s32 $0x20;
	[dreg:$0x12] =	wrdreg s22  }
0x20: {  	s20 =	simm.s32 $0x9;
	s21 =	simm.s32 $0x2;
	[dreg:$0x19] =	wrdreg s0  }
0x21: {  	s3 =	sadd.s32 $0x51600, s3;
	s24 =	smax.u32 s8, $0x1;
	[dreg:$0x1a] =	wrdreg s26  }
0x22: {  	s0 =	sshrl.u32 s25, $0x3;
	s26 =	simm.s32 $0xB;
	[dreg:$0x15] =	wrdreg s3  }
0x23: {  	s8 =	simm.s32 $0x180;
	s19 =	simm.s32 $0x5;
	[dreg:$0x16] =	wrdreg s24  }
0x24: {  	s22 =	simm.s32 $0x6;
	s3 =	sshrl.u32 @p0 s12, $0x3;
	[dreg:$0x1b] =	wrdreg s0  }
0x25: {  	s0 =	simm.s32 $0x300;
	s12 =	simm.s32 $0x7;
	[dreg:$0x17] =	wrdreg s3  }
.LBB2_1:
0x26: {  	[dreg:$0x1c] =	wrdreg s7  }
0x27: {  	s7 =	rddreg [dreg:$0xc]  }
0x28: {  	s3 =	simm.s32 @p0 $0x1FCB;
	s9 =	rddreg [dreg:$0x17]  }
0x29: {  	[spmem:s9], [sflag:s3] =	dma.local @p0 [hbm:s7], $0x2080  }
0x2a: {  	s7 =	simm.s32 @p0 $0xB  }
0x2b: {  	_ =	swait.ge @p0 [sflag:s7], $0x2080  }
0x2c: {  	[sflag:s7] =	ssyncset.done @p0 $0x0;
	s24 =	rddreg [dreg:$0x9]  }
0x2d: {  	s9 =	rddreg [dreg:$0x18];
	[sflag:s7] =	ssyncadd.s32 @p0 $0xFFFFDF80  }
0x2e: {  	[spmem:s9], [sflag:s3] =	dma.local @p0 [hbm:s24], $0x700  }
0x2f: {  	s9 =	stileid.u32;
	_ =	swait.ge @p0 [sflag:s7], $0x700  }
0x30: {  	s3 =	sshll.u32 @!p0 s9, $0x6;
	[sflag:s7] =	ssyncset.done @p0 $0x0;
	s25 =	rddreg [dreg:$0x19]  }
0x31: {  	s3 =	sor.u32 @!p0 $0x1C0B, s3;
	[sflag:s7] =	ssyncadd.s32 @p0 $0xFFFFF900;
	s7 =	rddreg [dreg:$0xa]  }
0x32: {  	[spmem:s25], [sflag:s3] =	dma.local @!p0 [hbm:s7], $0x2780  }
0x33: {  	s3 =	simm.s32 @!p0 $0xB  }
0x34: {  	_ =	swait.ge @!p0 [sflag:s3], $0x2780  }
0x35: {  	[sflag:s3] =	ssyncset.done @!p0 $0x0;
	s25 =	rddreg [dreg:$0xb]  }
0x36: {  	s9 =	sshll.u32 s9, $0x6;
	[sflag:s3] =	ssyncadd.s32 @!p0 $0xFFFFD880;
	s3 =	sshrl.u32 s25, $0x3  }
0x37: {  	s7 =	sor.u32 $0x1C0B, s9;
	[dreg:$0x1e] =	wrdreg s3  }
0x38: {  	[spmem:s3], [sflag:s7] =	dma.local [hbm:s24], $0x800  }
0x39: {  	_ =	swait.ge [sflag:s26], $0x800  }
0x3a: {  	[sflag:s26] =	ssyncset.done $0x0  }
0x3b: {  	s9 =	rddreg [dreg:$0x1a];
	[sflag:s26] =	ssyncadd.s32 $0xFFFFF800  }
0x3c: {  	[spmem:s9], [sflag:s7] =	dma.local [hbm:s24], $0x800  }
0x3d: {  	_ =	swait.ge [sflag:s26], $0x800  }
0x3e: {  	[dreg:$0x1d] =	wrdreg s7;
	[sflag:s26] =	ssyncset.done $0x0  }
0x3f: {  	s25 =	rddreg [dreg:$0x1b];
	[sflag:s26] =	ssyncadd.s32 $0xFFFFF800  }
0x40: {  	[spmem:s25], [sflag:s7] =	dma.local [hbm:s24], $0x400  }
0x41: {  	_ =	swait.ge [sflag:s26], $0x400  }
0x42: {  	[sflag:s26] =	ssyncset.done $0x0  }
0x43: {  	[sflag:s26] =	ssyncadd.s32 $0xFFFFFC00  }
0x44: {  	[bflag:$0x0] =	sbarrier.arrive $0xFFFF  }
0x45: {  	s9 =	rddreg [dreg:$0xd]  }
0x46: {  	[tilespmem:s4], [sflag:$0x3] =	stream.linear.gather [hbm4b:s9+s4], $0x80, $0x38;
	v63 =	vld [tilespmem:$0x0]  }
0x47: {  	s24 =	rddreg [dreg:$0xe]  }
0x48: {  	[tilespmem:s28], [sflag:$0x7] =	stream.linear.gather [hbm4b:s24+s4], $0x80, $0x38;
	v63 =	vld [tilespmem:$0x0]  }
0x49: {  	s25 =	rddreg [dreg:$0xf]  }
0x4a: {  	[tilespmem:s29], [sflag:$0x4] =	stream.linear.gather [hbm4b:s25+s4], $0x80, $0x38;
	v63 =	vld [tilespmem:$0x0]  }
0x4b: {  	s7 =	rddreg [dreg:$0x10]  }
0x4c: {  	[tilespmem:s30], [sflag:$0x8] =	stream.linear.gather [hbm4b:s7+s4], $0x80, $0x38;
	v63 =	vld [tilespmem:$0x0]  }
0x4d: {  	s9 =	rddreg [dreg:$0x11]  }
0x4e: {  	[tilespmem:s31], [sflag:$0x5] =	stream.linear.gather [hbm4b:s9+s4], $0x80, $0x38;
	v63 =	vld [tilespmem:$0x0]  }
0x4f: {  	s24 =	rddreg [dreg:$0x12]  }
0x50: {  	[tilespmem:s0], [sflag:$0x9] =	stream.linear.gather [hbm4b:s24+s4], $0x80, $0x38;
	v63 =	vld [tilespmem:$0x0]  }
0x51: {  	s25 =	rddreg [dreg:$0x13]  }
0x52: {  	[tilespmem:s8], [sflag:$0x6] =	stream.linear.gather [hbm4b:s25+s4], $0x80, $0x38;
	v63 =	vld [tilespmem:$0x0]  }
0x53: {  	s7 =	rddreg [dreg:$0x14]  }
0x54: {  	[tilespmem:s10], [sflag:$0xA] =	stream.linear.gather [hbm4b:s7+s4], $0x80, $0x38;
	v63 =	vld [tilespmem:$0x0]  }
0x55: {  	_ =	swait.ge [sflag:s11], $0x80  }
0x56: {  	[sflag:s11] =	ssyncset.done $0x0  }
0x57: {  	[sflag:s11] =	ssyncadd.s32 $0xFFFFFF80  }
0x58: {  	_ =	swait.ge [sflag:s12], $0x80  }
0x59: {  	[sflag:s12] =	ssyncset.done $0x0  }
0x5a: {  	[sflag:s12] =	ssyncadd.s32 $0xFFFFFF80  }
0x5b: {  	v1 =	vld [tilespmem:$0x200];
	_ =	sdelay $0x1  }
0x5c: {  	v2 =	vld [tilespmem:$0x210]  }
0x5d: {  	v3 =	vld [tilespmem:$0x0];
	_ =	sdelay $0x1  }
0x5e: {  	v5 =	vld [tilespmem:$0x10];
	v4 =	vsub.s32 v1, v0  }
0x5f: {  	v1 =	vand.u32 $0xFFF, v1;
	vm0 =	vgt.u32 v4, $0x1387  }
0x60: {  	v1 =	vsel vm0, v1, v4;
	v4 =	vsub.s32 v2, v0  }
0x61: {  	v2 =	vand.u32 $0xFFF, v2;
	[tilespmem:$0x200] =	vst v1;
	v1 =	vsel vm0, $0x2778, v3;
	vm12 =	vgt.u32 v4, $0x1387  }
0x62: {  	[tilespmem:$0x0] =	vst v1;
	v1 =	vsel vm12, v2, v4  }
0x63: {  	[tilespmem:$0x210] =	vst v1;
	v1 =	vsel vm12, $0x2778, v5  }
0x64: {  	[tilespmem:$0x10] =	vst v1  }
0x65: {  	[tilespmem:s14], [sflag:$0x1] =	stream.indirect.gather [spmem:s1], $0x80, s4, s13, $0xb8;
	v63 =	vld [tilespmem:$0x0]  }
0x66: {  	_ =	swait.ge [sflag:s15], $0x80  }
0x67: {  	[sflag:s15] =	ssyncset.done $0x0  }
0x68: {  	[sflag:s15] =	ssyncadd.s32 $0xFFFFFF80  }
0x69: {  	_ =	swait.ge [sflag:s16], $0x80  }
0x6a: {  	[sflag:s16] =	ssyncset.done $0x0  }
0x6b: {  	[sflag:s16] =	ssyncadd.s32 $0xFFFFFF80  }
0x6c: {  	v1 =	vld [tilespmem:$0x280];
	_ =	sdelay $0x1  }
0x6d: {  	v2 =	vld [tilespmem:$0x290]  }
0x6e: {  	v3 =	vld [tilespmem:$0x80];
	_ =	sdelay $0x1  }
0x6f: {  	v5 =	vld [tilespmem:$0x90];
	v4 =	vsub.s32 v1, v0  }
0x70: {  	v1 =	vand.u32 $0xFFF, v1;
	vm13 =	vgt.u32 v4, $0x1387  }
0x71: {  	v1 =	vsel vm13, v1, v4;
	v4 =	vsub.s32 v2, v0  }
0x72: {  	v2 =	vand.u32 $0xFFF, v2;
	[tilespmem:$0x280] =	vst v1;
	v1 =	vsel vm13, $0x2778, v3;
	vm14 =	vgt.u32 v4, $0x1387  }
0x73: {  	[tilespmem:$0x80] =	vst v1;
	v1 =	vsel vm14, v2, v4  }
0x74: {  	[tilespmem:$0x290] =	vst v1;
	v1 =	vsel vm14, $0x2778, v5  }
0x75: {  	[tilespmem:$0x90] =	vst v1  }
0x76: {  	[tilespmem:s17], [sflag:$0x2] =	stream.indirect.gather [spmem:s1], $0x80, s29, s13, $0xb8;
	v63 =	vld [tilespmem:$0x0]  }
0x77: {  	_ =	swait.ge [sflag:s18], $0x1000  }
0x78: {  	[sflag:s18] =	ssyncset.done $0x0  }
0x79: {  	[sflag:s18] =	ssyncadd.s32 $0xFFFFF000  }
0x7a: {  	[spmem:s2] =	stream.indirect.scatter.add.f32 [tilespmem:s14], [sflag:$0xB], $0x80, s28, s13, $0xb8;
	v63 =	vld [tilespmem:$0x0]  }
0x7b: {  	_ =	swait.ge [sflag:s26], $0x1000  }
0x7c: {  	[sflag:s26] =	ssyncset.done $0x0  }
0x7d: {  	[sflag:s26] =	ssyncadd.s32 $0xFFFFF000  }
0x7e: {  	_ =	swait.ge [sflag:s19], $0x80  }
0x7f: {  	[sflag:s19] =	ssyncset.done $0x0  }
0x80: {  	[sflag:s19] =	ssyncadd.s32 $0xFFFFFF80  }
0x81: {  	_ =	swait.ge [sflag:s20], $0x80  }
0x82: {  	[sflag:s20] =	ssyncset.done $0x0  }
0x83: {  	[sflag:s20] =	ssyncadd.s32 $0xFFFFFF80  }
0x84: {  	v1 =	vld [tilespmem:$0x310]  }
0x85: {  	v2 =	vld [tilespmem:$0x300]  }
0x86: {  	v3 =	vld [tilespmem:$0x110];
	_ =	sdelay $0x1  }
0x87: {  	v4 =	vld [tilespmem:$0x100]  }
0x88: {  	v5 =	vsub.s32 v1, v0  }
0x89: {  	vm15 =	vgt.u32 v5, $0x1387  }
0x8a: {  	v6 =	vsub.s32 v2, v0;
	v1 =	vand.u32 $0xFFF, v1;
	v3 =	vsel vm15, $0x2778, v3  }
0x8b: {  	vm1 =	vgt.u32 v6, $0x1387;
	v1 =	vsel vm15, v1, v5;
	[tilespmem:$0x110] =	vst v3  }
0x8c: {  	s24 =	smin.u32 s4, $0x27B;
	s9 =	rddreg [dreg:$0x5];
	v2 =	vand.u32 $0xFFF, v2;
	v3 =	vsel vm1, $0x2778, v4;
	[tilespmem:$0x310] =	vst v1  }
0x8d: {  	s3 =	sadd.s32 s24, s9;
	v1 =	vsel vm1, v2, v6;
	[tilespmem:$0x100] =	vst v3  }
0x8e: {  	s3 =	sshll.u32 s3, $0x4;
	[tilespmem:$0x300] =	vst v1  }
0x8f: {  	[tilespmem:s14], [sflag:$0x1] =	stream.indirect.gather [spmem:s1], $0x80, s31, s13, $0xb8;
	v63 =	vld [tilespmem:$0x0]  }
0x90: {  	s25 =	sadd.s32 s5, s3  }
0x91: {  	[tilespmem:s4], [sflag:$0x3] =	stream.linear.gather [hbm4b:s25+s4], $0x80, $0x38;
	v63 =	vld [tilespmem:$0x0]  }
0x92: {  	s3 =	sadd.s32 s6, s3  }
0x93: {  	[tilespmem:s28], [sflag:$0x7] =	stream.linear.gather [hbm4b:s3+s4], $0x80, $0x38;
	v63 =	vld [tilespmem:$0x0]  }
0x94: {  	_ =	swait.ge [sflag:s21], $0x1000  }
0x95: {  	[sflag:s21] =	ssyncset.done $0x0  }
0x96: {  	[sflag:s21] =	ssyncadd.s32 $0xFFFFF000  }
0x97: {  	[spmem:s2] =	stream.indirect.scatter.add.f32 [tilespmem:s17], [sflag:$0xB], $0x80, s30, s13, $0xb8;
	v63 =	vld [tilespmem:$0x0]  }
0x98: {  	_ =	swait.ge [sflag:s26], $0x1000  }
0x99: {  	[sflag:s26] =	ssyncset.done $0x0  }
0x9a: {  	[sflag:s26] =	ssyncadd.s32 $0xFFFFF000  }
0x9b: {  	_ =	swait.ge [sflag:s22], $0x80  }
0x9c: {  	[sflag:s22] =	ssyncset.done $0x0  }
0x9d: {  	[sflag:s22] =	ssyncadd.s32 $0xFFFFFF80  }
0x9e: {  	_ =	swait.ge [sflag:s23], $0x80  }
0x9f: {  	[sflag:s23] =	ssyncset.done $0x0  }
0xa0: {  	[sflag:s23] =	ssyncadd.s32 $0xFFFFFF80  }
0xa1: {  	v4 =	vld [tilespmem:$0x380]  }
0xa2: {  	v1 =	vld [tilespmem:$0x390]  }
0xa3: {  	v3 =	vld [tilespmem:$0x180]  }
0xa4: {  	s9 =	simm.s32 $0x4;
	s3 =	simm.s32 $0x0;
	v2 =	vld [tilespmem:$0x190]  }
.LBB2_2:
0xa5: {  	_ = 	snop  }
0xa6: {  	v5 =	vsub.s32 v4, v0  }
0xa7: {  	v4 =	vand.u32 $0xFFF, v4;
	vm0 =	vgt.u32 v5, $0x1387  }
0xa8: {  	v6 =	vsub.s32 v1, v0;
	v4 =	vsel vm0, v4, v5  }
0xa9: {  	vm10 =	vgt.u32 v6, $0x1387;
	v3 =	vsel vm0, $0x2778, v3;
	[tilespmem:$0x380] =	vst v4  }
0xaa: {  	s25 =	rddreg [dreg:$0x6];
	s24 =	smin.u32 s3, $0x27A;
	v1 =	vand.u32 $0xFFF, v1;
	v2 =	vsel vm10, $0x2778, v2;
	[tilespmem:$0x180] =	vst v3  }
0xab: {  	s24 =	sadd.s32 s24, s25;
	v1 =	vsel vm10, v1, v6;
	[tilespmem:$0x190] =	vst v2  }
0xac: {  	s24 =	sshll.u32 s24, $0x4;
	[tilespmem:$0x390] =	vst v1  }
0xad: {  	[tilespmem:s17], [sflag:$0x2] =	stream.indirect.gather [spmem:s1], $0x80, s8, s13, $0xb8;
	v63 =	vld [tilespmem:$0x0]  }
0xae: {  	s25 =	sadd.s32 s5, s24  }
0xaf: {  	[tilespmem:s29], [sflag:$0x4] =	stream.linear.gather [hbm4b:s25+s4], $0x80, $0x38;
	v63 =	vld [tilespmem:$0x0]  }
0xb0: {  	s24 =	sadd.s32 s6, s24  }
0xb1: {  	[tilespmem:s30], [sflag:$0x8] =	stream.linear.gather [hbm4b:s24+s4], $0x80, $0x38;
	v63 =	vld [tilespmem:$0x0]  }
0xb2: {  	_ =	swait.ge [sflag:s18], $0x1000  }
0xb3: {  	[sflag:s18] =	ssyncset.done $0x0  }
0xb4: {  	[sflag:s18] =	ssyncadd.s32 $0xFFFFF000  }
0xb5: {  	[spmem:s2] =	stream.indirect.scatter.add.f32 [tilespmem:s14], [sflag:$0xB], $0x80, s0, s13, $0xb8;
	v63 =	vld [tilespmem:$0x0]  }
0xb6: {  	_ =	swait.ge [sflag:s26], $0x1000  }
0xb7: {  	[sflag:s26] =	ssyncset.done $0x0  }
0xb8: {  	[sflag:s26] =	ssyncadd.s32 $0xFFFFF000  }
0xb9: {  	_ =	swait.ge [sflag:s11], $0x80  }
0xba: {  	[sflag:s11] =	ssyncset.done $0x0  }
0xbb: {  	[sflag:s11] =	ssyncadd.s32 $0xFFFFFF80  }
0xbc: {  	_ =	swait.ge [sflag:s12], $0x80  }
0xbd: {  	[sflag:s12] =	ssyncset.done $0x0  }
0xbe: {  	[sflag:s12] =	ssyncadd.s32 $0xFFFFFF80  }
0xbf: {  	v1 =	vld [tilespmem:$0x200]  }
0xc0: {  	v2 =	vld [tilespmem:$0x210]  }
0xc1: {  	v3 =	vld [tilespmem:$0x0];
	_ =	sdelay $0x2  }
0xc2: {  	v4 =	vld [tilespmem:$0x10];
	v5 =	vsub.s32 v1, v0  }
0xc3: {  	vm11 =	vgt.u32 v5, $0x1387  }
0xc4: {  	v1 =	vand.u32 $0xFFF, v1;
	v6 =	vsub.s32 v2, v0;
	v3 =	vsel vm11, $0x2778, v3  }
0xc5: {  	v2 =	vand.u32 $0xFFF, v2;
	vm1 =	vgt.u32 v6, $0x1387;
	v1 =	vsel vm11, v1, v5;
	[tilespmem:$0x0] =	vst v3  }
0xc6: {  	s25 =	smin.u32 s3, $0x279;
	s24 =	rddreg [dreg:$0x7];
	v2 =	vsel vm1, v2, v6;
	[tilespmem:$0x200] =	vst v1  }
0xc7: {  	s24 =	sadd.s32 s25, s24;
	v3 =	vsel vm1, $0x2778, v4;
	[tilespmem:$0x210] =	vst v2  }
0xc8: {  	s24 =	sshll.u32 s24, $0x4;
	[tilespmem:$0x10] =	vst v3  }
0xc9: {  	[tilespmem:s14], [sflag:$0x1] =	stream.indirect.gather [spmem:s1], $0x80, s4, s13, $0xb8;
	v63 =	vld [tilespmem:$0x0]  }
0xca: {  	s25 =	sadd.s32 s5, s24  }
0xcb: {  	[tilespmem:s31], [sflag:$0x5] =	stream.linear.gather [hbm4b:s25+s4], $0x80, $0x38;
	v63 =	vld [tilespmem:$0x0]  }
0xcc: {  	s24 =	sadd.s32 s6, s24  }
0xcd: {  	[tilespmem:s0], [sflag:$0x9] =	stream.linear.gather [hbm4b:s24+s4], $0x80, $0x38;
	v63 =	vld [tilespmem:$0x0]  }
0xce: {  	_ =	swait.ge [sflag:s21], $0x1000  }
0xcf: {  	[sflag:s21] =	ssyncset.done $0x0  }
0xd0: {  	[sflag:s21] =	ssyncadd.s32 $0xFFFFF000  }
0xd1: {  	[spmem:s2] =	stream.indirect.scatter.add.f32 [tilespmem:s17], [sflag:$0xB], $0x80, s10, s13, $0xb8;
	v63 =	vld [tilespmem:$0x0]  }
0xd2: {  	_ =	swait.ge [sflag:s26], $0x1000  }
0xd3: {  	[sflag:s26] =	ssyncset.done $0x0  }
0xd4: {  	[sflag:s26] =	ssyncadd.s32 $0xFFFFF000  }
0xd5: {  	_ =	swait.ge [sflag:s15], $0x80  }
0xd6: {  	[sflag:s15] =	ssyncset.done $0x0  }
0xd7: {  	[sflag:s15] =	ssyncadd.s32 $0xFFFFFF80  }
0xd8: {  	_ =	swait.ge [sflag:s16], $0x80  }
0xd9: {  	[sflag:s16] =	ssyncset.done $0x0  }
0xda: {  	[sflag:s16] =	ssyncadd.s32 $0xFFFFFF80  }
0xdb: {  	v1 =	vld [tilespmem:$0x280]  }
0xdc: {  	v2 =	vld [tilespmem:$0x290];
	_ =	sdelay $0x2  }
0xdd: {  	v3 =	vld [tilespmem:$0x90]  }
0xde: {  	v4 =	vld [tilespmem:$0x80];
	v5 =	vsub.s32 v1, v0  }
0xdf: {  	v1 =	vand.u32 $0xFFF, v1;
	v6 =	vsub.s32 v2, v0;
	vm12 =	vgt.u32 v5, $0x1387  }
0xe0: {  	v2 =	vand.u32 $0xFFF, v2;
	vm13 =	vgt.u32 v6, $0x1387;
	v1 =	vsel vm12, v1, v5  }
0xe1: {  	v2 =	vsel vm13, v2, v6;
	[tilespmem:$0x280] =	vst v1  }
0xe2: {  	s25 =	smin.u32 s3, $0x278;
	s24 =	rddreg [dreg:$0x8];
	v3 =	vsel vm13, $0x2778, v3;
	[tilespmem:$0x290] =	vst v2  }
0xe3: {  	s7 =	smov.u32 s9;
	s24 =	sadd.s32 s25, s24;
	v1 =	vsel vm12, $0x2778, v4;
	[tilespmem:$0x90] =	vst v3  }
0xe4: {  	s3 =	smov.u32 s7;
	s7 =	sshll.u32 s24, $0x4;
	[tilespmem:$0x80] =	vst v1  }
0xe5: {  	[tilespmem:s17], [sflag:$0x2] =	stream.indirect.gather [spmem:s1], $0x80, s29, s13, $0xb8;
	v63 =	vld [tilespmem:$0x0]  }
0xe6: {  	s25 =	sadd.s32 s5, s7  }
0xe7: {  	[tilespmem:s8], [sflag:$0x6] =	stream.linear.gather [hbm4b:s25+s4], $0x80, $0x38;
	v63 =	vld [tilespmem:$0x0]  }
0xe8: {  	s7 =	sadd.s32 s6, s7  }
0xe9: {  	[tilespmem:s10], [sflag:$0xA] =	stream.linear.gather [hbm4b:s7+s4], $0x80, $0x38;
	v63 =	vld [tilespmem:$0x0]  }
0xea: {  	_ =	swait.ge [sflag:s18], $0x1000  }
0xeb: {  	[sflag:s18] =	ssyncset.done $0x0  }
0xec: {  	[sflag:s18] =	ssyncadd.s32 $0xFFFFF000  }
0xed: {  	[spmem:s2] =	stream.indirect.scatter.add.f32 [tilespmem:s14], [sflag:$0xB], $0x80, s28, s13, $0xb8;
	v63 =	vld [tilespmem:$0x0]  }
0xee: {  	_ =	swait.ge [sflag:s26], $0x1000  }
0xef: {  	[sflag:s26] =	ssyncset.done $0x0  }
0xf0: {  	[sflag:s26] =	ssyncadd.s32 $0xFFFFF000  }
0xf1: {  	_ =	swait.ge [sflag:s19], $0x80  }
0xf2: {  	[sflag:s19] =	ssyncset.done $0x0  }
0xf3: {  	[sflag:s19] =	ssyncadd.s32 $0xFFFFFF80  }
0xf4: {  	_ =	swait.ge [sflag:s20], $0x80  }
0xf5: {  	[sflag:s20] =	ssyncset.done $0x0  }
0xf6: {  	[sflag:s20] =	ssyncadd.s32 $0xFFFFFF80  }
0xf7: {  	v1 =	vld [tilespmem:$0x310]  }
0xf8: {  	v2 =	vld [tilespmem:$0x300]  }
0xf9: {  	v3 =	vld [tilespmem:$0x110];
	_ =	sdelay $0x1  }
0xfa: {  	v4 =	vld [tilespmem:$0x100]  }
0xfb: {  	v5 =	vsub.s32 v1, v0  }
0xfc: {  	vm14 =	vgt.u32 v5, $0x1387  }
0xfd: {  	v6 =	vsub.s32 v2, v0;
	v1 =	vand.u32 $0xFFF, v1;
	v3 =	vsel vm14, $0x2778, v3  }
0xfe: {  	vm15 =	vgt.u32 v6, $0x1387;
	v1 =	vsel vm14, v1, v5;
	[tilespmem:$0x110] =	vst v3  }
0xff: {  	s25 =	smin.u32 s3, $0x27B;
	s24 =	rddreg [dreg:$0x5];
	v2 =	vand.u32 $0xFFF, v2;
	v4 =	vsel vm15, $0x2778, v4;
	[tilespmem:$0x310] =	vst v1  }
0x100: {  	s7 =	sadd.s32 s25, s24;
	v2 =	vsel vm15, v2, v6;
	[tilespmem:$0x100] =	vst v4  }
0x101: {  	s7 =	sshll.u32 s7, $0x4;
	[tilespmem:$0x300] =	vst v2  }
0x102: {  	[tilespmem:s14], [sflag:$0x1] =	stream.indirect.gather [spmem:s1], $0x80, s31, s13, $0xb8;
	v63 =	vld [tilespmem:$0x0]  }
0x103: {  	s25 =	sadd.s32 s6, s7;
	s7 =	sadd.s32 s5, s7  }
0x104: {  	[tilespmem:s4], [sflag:$0x3] =	stream.linear.gather [hbm4b:s7+s4], $0x80, $0x38;
	v63 =	vld [tilespmem:$0x0]  }
0x105: {  	_ = 	snop  }
0x106: {  	[tilespmem:s28], [sflag:$0x7] =	stream.linear.gather [hbm4b:s25+s4], $0x80, $0x38;
	v63 =	vld [tilespmem:$0x0]  }
0x107: {  	_ =	swait.ge [sflag:s21], $0x1000  }
0x108: {  	[sflag:s21] =	ssyncset.done $0x0  }
0x109: {  	[sflag:s21] =	ssyncadd.s32 $0xFFFFF000  }
0x10a: {  	[spmem:s2] =	stream.indirect.scatter.add.f32 [tilespmem:s17], [sflag:$0xB], $0x80, s30, s13, $0xb8;
	v63 =	vld [tilespmem:$0x0]  }
0x10b: {  	_ =	swait.ge [sflag:s26], $0x1000  }
0x10c: {  	[sflag:s26] =	ssyncset.done $0x0  }
0x10d: {  	[sflag:s26] =	ssyncadd.s32 $0xFFFFF000  }
0x10e: {  	_ =	swait.ge [sflag:s22], $0x80  }
0x10f: {  	[sflag:s22] =	ssyncset.done $0x0  }
0x110: {  	[sflag:s22] =	ssyncadd.s32 $0xFFFFFF80  }
0x111: {  	_ =	swait.ge [sflag:s23], $0x80  }
0x112: {  	p1 =	sne.s32 s9, $0x27C;
	[sflag:s23] =	ssyncset.done $0x0  }
.Ltmp0:
0x113: {  	[sflag:s23] =	ssyncadd.s32 $0xFFFFFF80;
	(pc) =	sbr.rel @p1 .LBB2_2-.Ltmp0, $4  }
0x114: {  	v4 =	vld [tilespmem:$0x380]  }
0x115: {  	v1 =	vld [tilespmem:$0x390]  }
0x116: {  	v3 =	vld [tilespmem:$0x180]  }
0x117: {  	s9 =	sadd.s32 $0x4, s9;
	v2 =	vld [tilespmem:$0x190]  }
0x118: {  	_ = 	snop  }
0x119: {  	v5 =	vsub.s32 v4, v0  }
0x11a: {  	v56 =	vand.u32 $0xFFF, v4;
	vm0 =	vgt.u32 v5, $0x1387  }
0x11b: {  	v6 =	vsub.s32 v1, v0;
	v4 =	vsel vm0, v56, v5  }
0x11c: {  	v3 =	vsel vm0, $0x2778, v3;
	vm12 =	vgt.u32 v6, $0x1387;
	[tilespmem:$0x380] =	vst v4  }
0x11d: {  	s7 =	rddreg [dreg:$0x6];
	s9 =	smin.u32 s3, $0x27A;
	v1 =	vand.u32 $0xFFF, v1;
	v2 =	vsel vm12, $0x2778, v2;
	[tilespmem:$0x180] =	vst v3  }
0x11e: {  	s7 =	sadd.s32 s9, s7;
	v1 =	vsel vm12, v1, v6;
	[tilespmem:$0x190] =	vst v2  }
0x11f: {  	s7 =	sshll.u32 s7, $0x4;
	[tilespmem:$0x390] =	vst v1  }
0x120: {  	[tilespmem:s17], [sflag:$0x2] =	stream.indirect.gather [spmem:s1], $0x80, s8, s13, $0xb8;
	v63 =	vld [tilespmem:$0x0]  }
0x121: {  	s25 =	sadd.s32 s5, s7  }
0x122: {  	[tilespmem:s29], [sflag:$0x4] =	stream.linear.gather [hbm4b:s25+s4], $0x80, $0x38;
	v63 =	vld [tilespmem:$0x0]  }
0x123: {  	s7 =	sadd.s32 s6, s7  }
0x124: {  	[tilespmem:s30], [sflag:$0x8] =	stream.linear.gather [hbm4b:s7+s4], $0x80, $0x38;
	v63 =	vld [tilespmem:$0x0]  }
0x125: {  	_ =	swait.ge [sflag:s18], $0x1000  }
0x126: {  	[sflag:s18] =	ssyncset.done $0x0  }
0x127: {  	[sflag:s18] =	ssyncadd.s32 $0xFFFFF000  }
0x128: {  	[spmem:s2] =	stream.indirect.scatter.add.f32 [tilespmem:s14], [sflag:$0xB], $0x80, s0, s13, $0xb8;
	v63 =	vld [tilespmem:$0x0]  }
0x129: {  	_ =	swait.ge [sflag:s26], $0x1000  }
0x12a: {  	[sflag:s26] =	ssyncset.done $0x0  }
0x12b: {  	[sflag:s26] =	ssyncadd.s32 $0xFFFFF000  }
0x12c: {  	_ =	swait.ge [sflag:s11], $0x80  }
0x12d: {  	[sflag:s11] =	ssyncset.done $0x0  }
0x12e: {  	[sflag:s11] =	ssyncadd.s32 $0xFFFFFF80  }
0x12f: {  	_ =	swait.ge [sflag:s12], $0x80  }
0x130: {  	[sflag:s12] =	ssyncset.done $0x0  }
0x131: {  	[sflag:s12] =	ssyncadd.s32 $0xFFFFFF80  }
0x132: {  	v1 =	vld [tilespmem:$0x200]  }
0x133: {  	v2 =	vld [tilespmem:$0x210]  }
0x134: {  	v3 =	vld [tilespmem:$0x0];
	_ =	sdelay $0x2  }
0x135: {  	v57 =	vld [tilespmem:$0x10];
	v58 =	vsub.s32 v1, v0  }
0x136: {  	vm13 =	vgt.u32 v58, $0x1387  }
0x137: {  	v59 =	vsub.s32 v2, v0;
	v1 =	vand.u32 $0xFFF, v1;
	v3 =	vsel vm13, $0x2778, v3  }
0x138: {  	v2 =	vand.u32 $0xFFF, v2;
	vm1 =	vgt.u32 v59, $0x1387;
	v1 =	vsel vm13, v1, v58;
	[tilespmem:$0x0] =	vst v3  }
0x139: {  	s24 =	smin.u32 s3, $0x279;
	s9 =	rddreg [dreg:$0x7];
	v2 =	vsel vm1, v2, v59;
	[tilespmem:$0x200] =	vst v1  }
0x13a: {  	s7 =	sadd.s32 s24, s9;
	v3 =	vsel vm1, $0x2778, v57;
	[tilespmem:$0x210] =	vst v2  }
0x13b: {  	s7 =	sshll.u32 s7, $0x4;
	[tilespmem:$0x10] =	vst v3  }
0x13c: {  	[tilespmem:s14], [sflag:$0x1] =	stream.indirect.gather [spmem:s1], $0x80, s4, s13, $0xb8;
	v63 =	vld [tilespmem:$0x0]  }
0x13d: {  	s25 =	sadd.s32 s5, s7  }
0x13e: {  	[tilespmem:s31], [sflag:$0x5] =	stream.linear.gather [hbm4b:s25+s4], $0x80, $0x38;
	v63 =	vld [tilespmem:$0x0]  }
0x13f: {  	s7 =	sadd.s32 s6, s7  }
0x140: {  	[tilespmem:s0], [sflag:$0x9] =	stream.linear.gather [hbm4b:s7+s4], $0x80, $0x38;
	v63 =	vld [tilespmem:$0x0]  }
0x141: {  	_ =	swait.ge [sflag:s21], $0x1000  }
0x142: {  	[sflag:s21] =	ssyncset.done $0x0  }
0x143: {  	[sflag:s21] =	ssyncadd.s32 $0xFFFFF000  }
0x144: {  	[spmem:s2] =	stream.indirect.scatter.add.f32 [tilespmem:s17], [sflag:$0xB], $0x80, s10, s13, $0xb8;
	v63 =	vld [tilespmem:$0x0]  }
0x145: {  	_ =	swait.ge [sflag:s26], $0x1000  }
0x146: {  	[sflag:s26] =	ssyncset.done $0x0  }
0x147: {  	[sflag:s26] =	ssyncadd.s32 $0xFFFFF000  }
0x148: {  	_ =	swait.ge [sflag:s15], $0x80  }
0x149: {  	[sflag:s15] =	ssyncset.done $0x0  }
0x14a: {  	[sflag:s15] =	ssyncadd.s32 $0xFFFFFF80  }
0x14b: {  	_ =	swait.ge [sflag:s16], $0x80  }
0x14c: {  	[sflag:s16] =	ssyncset.done $0x0  }
0x14d: {  	[sflag:s16] =	ssyncadd.s32 $0xFFFFFF80  }
0x14e: {  	v1 =	vld [tilespmem:$0x280]  }
0x14f: {  	v2 =	vld [tilespmem:$0x290];
	_ =	sdelay $0x2  }
0x150: {  	v3 =	vld [tilespmem:$0x90]  }
0x151: {  	v60 =	vld [tilespmem:$0x80];
	v61 =	vsub.s32 v1, v0  }
0x152: {  	v1 =	vand.u32 $0xFFF, v1;
	v62 =	vsub.s32 v2, v0;
	vm14 =	vgt.u32 v61, $0x1387  }
0x153: {  	v2 =	vand.u32 $0xFFF, v2;
	vm15 =	vgt.u32 v62, $0x1387;
	v1 =	vsel vm14, v1, v61  }
0x154: {  	[tilespmem:$0x280] =	vst v1;
	v1 =	vsel vm15, v2, v62  }
0x155: {  	s24 =	smin.u32 s3, $0x278;
	s9 =	rddreg [dreg:$0x8];
	v2 =	vsel vm15, $0x2778, v3;
	[tilespmem:$0x290] =	vst v1  }
0x156: {  	s3 =	sadd.s32 s24, s9;
	v1 =	vsel vm14, $0x2778, v60;
	[tilespmem:$0x90] =	vst v2  }
0x157: {  	s3 =	sshll.u32 s3, $0x4;
	[tilespmem:$0x80] =	vst v1  }
0x158: {  	[tilespmem:s17], [sflag:$0x2] =	stream.indirect.gather [spmem:s1], $0x80, s29, s13, $0xb8;
	v63 =	vld [tilespmem:$0x0]  }
0x159: {  	s25 =	sadd.s32 s5, s3  }
0x15a: {  	[tilespmem:s8], [sflag:$0x6] =	stream.linear.gather [hbm4b:s25+s4], $0x80, $0x38;
	v63 =	vld [tilespmem:$0x0]  }
0x15b: {  	s3 =	sadd.s32 s6, s3  }
0x15c: {  	[tilespmem:s10], [sflag:$0xA] =	stream.linear.gather [hbm4b:s3+s4], $0x80, $0x38;
	v63 =	vld [tilespmem:$0x0]  }
0x15d: {  	_ =	swait.ge [sflag:s18], $0x1000  }
0x15e: {  	[sflag:s18] =	ssyncset.done $0x0  }
0x15f: {  	[sflag:s18] =	ssyncadd.s32 $0xFFFFF000  }
0x160: {  	_ =	swait.ge [sflag:s21], $0x1000  }
0x161: {  	[sflag:s21] =	ssyncset.done $0x0  }
0x162: {  	[sflag:s21] =	ssyncadd.s32 $0xFFFFF000  }
0x163: {  	_ =	swait.ge [sflag:s19], $0x80  }
0x164: {  	[sflag:s19] =	ssyncset.done $0x0  }
0x165: {  	[sflag:s19] =	ssyncadd.s32 $0xFFFFFF80  }
0x166: {  	_ =	swait.ge [sflag:s20], $0x80  }
0x167: {  	[sflag:s20] =	ssyncset.done $0x0  }
0x168: {  	[sflag:s20] =	ssyncadd.s32 $0xFFFFFF80  }
0x169: {  	_ =	swait.ge [sflag:s22], $0x80  }
0x16a: {  	[sflag:s22] =	ssyncset.done $0x0  }
0x16b: {  	[sflag:s22] =	ssyncadd.s32 $0xFFFFFF80  }
0x16c: {  	_ =	swait.ge [sflag:s23], $0x80  }
0x16d: {  	[sflag:s23] =	ssyncset.done $0x0  }
0x16e: {  	[sflag:s23] =	ssyncadd.s32 $0xFFFFFF80  }
0x16f: {  	[bflag:$0x0] =	sbarrier.arrive $0xFFFF  }
0x170: {  	s9 =	rddreg [dreg:$0x15]  }
0x171: {  	s24 =	rddreg [dreg:$0x1d]  }
0x172: {  	s25 =	rddreg [dreg:$0x1e]  }
0x173: {  	[hbm:s9], [sflag:s24] =	dma.local [spmem:s25], $0x1400  }
0x174: {  	_ =	swait.ge [sflag:s26], $0x1400  }
0x175: {  	s24 =	rddreg [dreg:$0x1c]  }
0x176: {  	s25 =	rddreg [dreg:$0x16];
	s7 =	sadd.s32 $0x1, s24  }
0x177: {  	p1 =	sne.s32 s7, s25  }
.Ltmp1:
0x178: {  	_ = 	snop;
	(pc) =	sbr.rel @p1 .LBB2_1-.Ltmp1, $3  }
0x179: {  	_ =	sdelay $0x1  }
0x17a: {  	[sflag:s26] =	ssyncset.done $0x0  }
0x17b: {  	[sflag:s26] =	ssyncadd.s32 $0xFFFFEC00  }
0x17c: {  	_ =	sfence.sel $0x180000  }
0x17d: {  	[bflag:$0x0] =	sbarrier.arrive $0xFFFF  }
0x17e: {  	_ =	strace $0x90000047  }
0x17f: {  	s0 =	stileid.u32;
	[bflag:$0x2] =	sbarrier.arrive $0xFFFF  }
0x180: {  	p0 =	sne.s32 s0, $0x0;
	s0 =	rddreg [dreg:$0x4]  }
0x181: {  	s0 =	sadd.s32 @!p0 $0x100000, s0  }
0x182: {  	[sflag:s0] =	ssyncadd.tile.s32 @!p0 $0x1;
	_ =	shalt  }
.Lfunc_end2:
_tile_overlayer_lowered:
.L_overlay_start_2:
0x183: {  	(tag) =	ssettag $0x2  }
0x184: {  	s0 =	rddreg [dreg:$0x0];
	s2 =	stileid.u32  }
0x185: {  	s1 =	rddreg [dreg:$0x1];
	p0 =	sne.s32 s2, $0x0  }
0x186: {  	s3 =	rddreg [dreg:$0x2];
	[bflag:$0x3] =	sbarrier.arrive $0xFFFF;
	s2 =	simm.s32 @!p0 $0x1C0B  }
0x187: {  	[timem:s3], [sflag:s2] =	dma.local @!p0 [hbm:s0], s1  }
0x188: {  	s0 =	simm.s32 @!p0 $0xB  }
0x189: {  	_ =	swait.ge @!p0 [sflag:s0], s1  }
0x18a: {  	s1 =	ssub.s32 @!p0 $0x0, s1;
	[sflag:s0] =	ssyncset.done @!p0 $0x0  }
0x18b: {  	[sflag:s0] =	ssyncadd.s32 @!p0 s1  }
0x18c: {  	[bflag:$0x3] =	sbarrier.arrive $0xFFFF  }
0x18d: {  	_ =	shalt  }

</sc_bundles>
